<compile_context>
chip_gen: v7x
topology: tpu7x:2x2x1
jax: 0.10.2.dev20260603
libtpu: 0.0.44.dev20260713+nightly
codegen_flags: <defaults>
</compile_context>

<pallas_src>
import functools

import jax
import jax.numpy as jnp
from jax import lax
from jax.experimental import pallas as pl
from jax.experimental.pallas import tpu as pltpu
from jax.experimental.pallas import tpu_sc as plsc

N = 10000
NP = 10240
E_CNT = 320000
CHUNK = 128
NTILES = 16
CH = 158
EP = CH * NTILES * CHUNK
BLK = 512
GRID = NP // BLK
ROWS_PER_TILE = NP // NTILES


def _segsum_body(tEF, srcp, dstp, zrow, out, acc, idx_s0, idx_d0, idx_s1,
                 idx_d1, rows0, rows1, gsem0, gsem1, ssem0, ssem1):
    c = lax.axis_index("c")
    s = lax.axis_index("s")

    pltpu.sync_copy(zrow, acc.at[pl.ds(s * ROWS_PER_TILE, ROWS_PER_TILE)])
    plsc.subcore_barrier()
    base = c * NP

    def swait(buf, idx, sem):
        pltpu.make_async_copy(buf, acc.at[idx], sem).wait()

    @pl.loop(0, CH // 2)
    def _(p):
        off0 = (s * CH + 2 * p) * CHUNK

        @pl.when(p > 0)
        def _():
            swait(rows0, idx_d0, ssem0)

        pltpu.sync_copy(srcp.at[pl.ds(off0, CHUNK)], idx_s0)
        pltpu.sync_copy(dstp.at[pl.ds(off0, CHUNK)], idx_d0)

        @pl.loop(0, CHUNK // 16)
        def _(j):
            sl = pl.ds(j * 16, 16)
            idx_s0[sl] = idx_s0[sl] + base

        a0 = pltpu.async_copy(tEF.at[idx_s0], rows0, gsem0)

        @pl.when(p > 0)
        def _():
            swait(rows1, idx_d1, ssem1)

        pltpu.sync_copy(srcp.at[pl.ds(off0 + CHUNK, CHUNK)], idx_s1)
        pltpu.sync_copy(dstp.at[pl.ds(off0 + CHUNK, CHUNK)], idx_d1)

        @pl.loop(0, CHUNK // 16)
        def _(j):
            sl = pl.ds(j * 16, 16)
            idx_s1[sl] = idx_s1[sl] + base

        a0.wait()
        pltpu.async_copy(rows0, acc.at[idx_d0], ssem0, add=True)
        a1 = pltpu.async_copy(tEF.at[idx_s1], rows1, gsem1)
        a1.wait()
        pltpu.async_copy(rows1, acc.at[idx_d1], ssem1, add=True)

    swait(rows0, idx_d0, ssem0)
    swait(rows1, idx_d1, ssem1)
    plsc.subcore_barrier()
    pltpu.sync_copy(acc.at[pl.ds(s * ROWS_PER_TILE, ROWS_PER_TILE)],
                    out.at[c, pl.ds(s * ROWS_PER_TILE, ROWS_PER_TILE)])


@functools.cache
def _get_segsum():
    return pl.kernel(
        _segsum_body,
        out_type=jax.ShapeDtypeStruct((2, NP, 128), jnp.float32),
        mesh=plsc.VectorSubcoreMesh(core_axis_name="c", subcore_axis_name="s",
                                    num_cores=2, num_subcores=NTILES),
        scratch_types=[
            pltpu.VMEM_SHARED((NP, 128), jnp.float32),
            pltpu.VMEM((CHUNK,), jnp.int32),
            pltpu.VMEM((CHUNK,), jnp.int32),
            pltpu.VMEM((CHUNK,), jnp.int32),
            pltpu.VMEM((CHUNK,), jnp.int32),
            pltpu.VMEM((CHUNK, 128), jnp.float32),
            pltpu.VMEM((CHUNK, 128), jnp.float32),
            pltpu.SemaphoreType.DMA,
            pltpu.SemaphoreType.DMA,
            pltpu.SemaphoreType.DMA,
            pltpu.SemaphoreType.DMA,
        ],
    )


def _segsum(tEF, srcp, dstp, zrow):
    return _get_segsum()(tEF, srcp, dstp, zrow)


def _tables1_body(x, WpT, bp, t, outE, outF):
    xp = jnp.maximum(
        jnp.dot(x[...], WpT[...], preferred_element_type=jnp.float32) + bp[...],
        0.0)
    Ev = jnp.exp(xp * t[...])
    outE[...] = Ev
    outF[...] = xp * Ev


def _tables1(x_pad, WpT, bp, t):
    return pl.pallas_call(
        _tables1_body,
        grid=(GRID,),
        in_specs=[
            pl.BlockSpec((BLK, 128), lambda i: (i, 0)),
            pl.BlockSpec((128, 128), lambda i: (0, 0)),
            pl.BlockSpec((1, 128), lambda i: (0, 0)),
            pl.BlockSpec((1, 128), lambda i: (0, 0)),
        ],
        out_specs=[
            pl.BlockSpec((BLK, 128), lambda i: (i, 0)),
            pl.BlockSpec((BLK, 128), lambda i: (i, 0)),
        ],
        out_shape=[
            jax.ShapeDtypeStruct((NP, 128), jnp.float32),
            jax.ShapeDtypeStruct((NP, 128), jnp.float32),
        ],
    )(x_pad, WpT, bp, t)


def _tables2_body(x, WpT, bp, t, outEa, outEb, outFa, outFb):
    xp = jnp.maximum(
        jnp.dot(x[...], WpT[...], preferred_element_type=jnp.float32) + bp[...],
        0.0)
    Ev = jnp.exp(xp * t[...])
    Fv = xp * Ev
    outEa[...] = Ev[:, :128]
    outEb[...] = Ev[:, 128:]
    outFa[...] = Fv[:, :128]
    outFb[...] = Fv[:, 128:]


def _tables2(h_pad, WpT, bp, t):
    return pl.pallas_call(
        _tables2_body,
        grid=(GRID,),
        in_specs=[
            pl.BlockSpec((BLK, 256), lambda i: (i, 0)),
            pl.BlockSpec((256, 256), lambda i: (0, 0)),
            pl.BlockSpec((1, 256), lambda i: (0, 0)),
            pl.BlockSpec((1, 256), lambda i: (0, 0)),
        ],
        out_specs=[pl.BlockSpec((BLK, 128), lambda i: (i, 0))] * 4,
        out_shape=[jax.ShapeDtypeStruct((NP, 128), jnp.float32)] * 4,
    )(h_pad, WpT, bp, t)


def _combine1_body(Es, Fs, x, WlT, bl, WrT, outh):
    agg = Fs[...] / (Es[...] + 1e-16)
    o = (jnp.dot(agg, WlT[...], preferred_element_type=jnp.float32) + bl[...]
         + jnp.dot(x[...], WrT[...], preferred_element_type=jnp.float32))
    nrm = jnp.sqrt(jnp.sum(o * o, axis=-1, keepdims=True))
    outh[...] = jnp.maximum(o / jnp.maximum(nrm, 1e-12), 0.0)


def _combine1(Es, Fs, x_pad, WlT, bl, WrT):
    return pl.pallas_call(
        _combine1_body,
        grid=(GRID,),
        in_specs=[
            pl.BlockSpec((BLK, 128), lambda i: (i, 0)),
            pl.BlockSpec((BLK, 128), lambda i: (i, 0)),
            pl.BlockSpec((BLK, 128), lambda i: (i, 0)),
            pl.BlockSpec((128, 256), lambda i: (0, 0)),
            pl.BlockSpec((1, 256), lambda i: (0, 0)),
            pl.BlockSpec((128, 256), lambda i: (0, 0)),
        ],
        out_specs=pl.BlockSpec((BLK, 256), lambda i: (i, 0)),
        out_shape=jax.ShapeDtypeStruct((NP, 256), jnp.float32),
    )(Es, Fs, x_pad, WlT, bl, WrT)


def _mid_body(Es, Fs, x, WlT, bl, WrT, WpT, bp, t, outh, outEa, outEb,
              outFa, outFb):
    agg = Fs[...] / (Es[...] + 1e-16)
    o = (jnp.dot(agg, WlT[...], preferred_element_type=jnp.float32) + bl[...]
         + jnp.dot(x[...], WrT[...], preferred_element_type=jnp.float32))
    nrm = jnp.sqrt(jnp.sum(o * o, axis=-1, keepdims=True))
    h = jnp.maximum(o / jnp.maximum(nrm, 1e-12), 0.0)
    outh[...] = h
    xp = jnp.maximum(
        jnp.dot(h, WpT[...], preferred_element_type=jnp.float32) + bp[...],
        0.0)
    Ev = jnp.exp(xp * t[...])
    Fv = xp * Ev
    outEa[...] = Ev[:, :128]
    outEb[...] = Ev[:, 128:]
    outFa[...] = Fv[:, :128]
    outFb[...] = Fv[:, 128:]


def _mid(Es, Fs, x_pad, WlT, bl, WrT, WpT, bp, t):
    return pl.pallas_call(
        _mid_body,
        grid=(GRID,),
        in_specs=[
            pl.BlockSpec((BLK, 128), lambda i: (i, 0)),
            pl.BlockSpec((BLK, 128), lambda i: (i, 0)),
            pl.BlockSpec((BLK, 128), lambda i: (i, 0)),
            pl.BlockSpec((128, 256), lambda i: (0, 0)),
            pl.BlockSpec((1, 256), lambda i: (0, 0)),
            pl.BlockSpec((128, 256), lambda i: (0, 0)),
            pl.BlockSpec((256, 256), lambda i: (0, 0)),
            pl.BlockSpec((1, 256), lambda i: (0, 0)),
            pl.BlockSpec((1, 256), lambda i: (0, 0)),
        ],
        out_specs=[pl.BlockSpec((BLK, 256), lambda i: (i, 0))]
        + [pl.BlockSpec((BLK, 128), lambda i: (i, 0))] * 4,
        out_shape=[jax.ShapeDtypeStruct((NP, 256), jnp.float32)]
        + [jax.ShapeDtypeStruct((NP, 128), jnp.float32)] * 4,
    )(Es, Fs, x_pad, WlT, bl, WrT, WpT, bp, t)


def _combine2_body(Ea, Eb, Fa, Fb, x, WlTa, WlTb, bl, WrT, outh):
    aggA = Fa[...] / (Ea[...] + 1e-16)
    aggB = Fb[...] / (Eb[...] + 1e-16)
    o = (jnp.dot(aggA, WlTa[...], preferred_element_type=jnp.float32)
         + jnp.dot(aggB, WlTb[...], preferred_element_type=jnp.float32)
         + bl[...]
         + jnp.dot(x[...], WrT[...], preferred_element_type=jnp.float32))
    nrm = jnp.sqrt(jnp.sum(o * o, axis=-1, keepdims=True))
    outh[...] = jnp.maximum(o / jnp.maximum(nrm, 1e-12), 0.0)


def _combine2(Ea, Eb, Fa, Fb, h_pad, WlTa, WlTb, bl, WrT):
    return pl.pallas_call(
        _combine2_body,
        grid=(GRID,),
        in_specs=[
            pl.BlockSpec((BLK, 128), lambda i: (i, 0)),
            pl.BlockSpec((BLK, 128), lambda i: (i, 0)),
            pl.BlockSpec((BLK, 128), lambda i: (i, 0)),
            pl.BlockSpec((BLK, 128), lambda i: (i, 0)),
            pl.BlockSpec((BLK, 256), lambda i: (i, 0)),
            pl.BlockSpec((128, 128), lambda i: (0, 0)),
            pl.BlockSpec((128, 128), lambda i: (0, 0)),
            pl.BlockSpec((1, 128), lambda i: (0, 0)),
            pl.BlockSpec((256, 128), lambda i: (0, 0)),
        ],
        out_specs=pl.BlockSpec((BLK, 128), lambda i: (i, 0)),
        out_shape=jax.ShapeDtypeStruct((NP, 128), jnp.float32),
    )(Ea, Eb, Fa, Fb, h_pad, WlTa, WlTb, bl, WrT)


def _head_body(h, kfT, kn2, M, P, WpoolT, bpool, WfT, bf, gamma, beta, outo,
               acc):
    i = pl.program_id(0)
    rid = lax.broadcasted_iota(jnp.int32, (BLK, 1), 0) + i * BLK
    hm = jnp.where(rid < N, h[...], 0.0)
    xn2 = jnp.sum(hm * hm, axis=-1, keepdims=True)
    d2 = jnp.maximum(
        xn2 + kn2[...]
        - 2.0 * jnp.dot(hm, kfT[...], preferred_element_type=jnp.float32),
        0.0)
    dist = 1.0 / (1.0 + d2)
    dsum = jnp.dot(dist, M[...], preferred_element_type=jnp.float32)
    Spre = jnp.dot(dist / dsum, P[...], preferred_element_type=jnp.float32)
    Spre = Spre - jnp.max(Spre, axis=-1, keepdims=True)
    es = jnp.exp(Spre)
    S = es / jnp.sum(es, axis=-1, keepdims=True)
    S = jnp.where(rid < N, S, 0.0)
    part = lax.dot_general(S, hm, (((0,), (0,)), ((), ())),
                           preferred_element_type=jnp.float32)

    @pl.when(i == 0)
    def _():
        acc[...] = jnp.zeros_like(acc)

    acc[...] += part

    @pl.when(i == GRID - 1)
    def _():
        xo = (jnp.dot(acc[...], WpoolT[...], preferred_element_type=jnp.float32)
              + bpool[...])
        g = jnp.mean(xo, axis=0, keepdims=True)
        o = jnp.dot(g, WfT[...], preferred_element_type=jnp.float32) + bf[...]
        mu = jnp.mean(o, axis=-1, keepdims=True)
        var = jnp.mean((o - mu) * (o - mu), axis=-1, keepdims=True)
        o = (o - mu) / jnp.sqrt(var + 1e-5) * gamma[...] + beta[...]
        outo[...] = jnp.maximum(o, 0.0)


def _head(h_pad, kfT, kn2, M, P, WpoolT, bpool, WfT, bf, gamma, beta):
    return pl.pallas_call(
        _head_body,
        grid=(GRID,),
        in_specs=[
            pl.BlockSpec((BLK, 128), lambda i: (i, 0)),
            pl.BlockSpec((128, 16), lambda i: (0, 0)),
            pl.BlockSpec((1, 16), lambda i: (0, 0)),
            pl.BlockSpec((16, 16), lambda i: (0, 0)),
            pl.BlockSpec((16, 4), lambda i: (0, 0)),
            pl.BlockSpec((128, 128), lambda i: (0, 0)),
            pl.BlockSpec((1, 128), lambda i: (0, 0)),
            pl.BlockSpec((128, 128), lambda i: (0, 0)),
            pl.BlockSpec((1, 128), lambda i: (0, 0)),
            pl.BlockSpec((1, 128), lambda i: (0, 0)),
            pl.BlockSpec((1, 128), lambda i: (0, 0)),
        ],
        out_specs=pl.BlockSpec((1, 128), lambda i: (0, 0)),
        out_shape=jax.ShapeDtypeStruct((1, 128), jnp.float32),
        scratch_shapes=[pltpu.VMEM((4, 128), jnp.float32)],
    )(h_pad, kfT, kn2, M, P, WpoolT, bpool, WfT, bf, gamma, beta)


def kernel(x, edge_index, W1p, b1p, t1, W1l, b1l, W1r, W2p, b2p, t2, W2l, b2l,
           W2r, k_mem, conv_w, Wpool, bpool, Wf, bf, gamma, beta):
    f32 = jnp.float32
    x_pad = jnp.pad(x, ((0, NP - N), (0, 0)))
    pad = jnp.full((EP - E_CNT,), N, jnp.int32)
    srcp = jnp.concatenate([edge_index[0].astype(jnp.int32), pad])
    dstp = jnp.concatenate([edge_index[1].astype(jnp.int32), pad])
    zrow = jnp.zeros((ROWS_PER_TILE, 128), f32)

    E1, F1 = _tables1(x_pad, W1p.T, b1p.reshape(1, 128), t1.reshape(1, 128))
    seg1 = _segsum(jnp.concatenate([E1, F1], axis=0), srcp, dstp, zrow)
    h1, E2a, E2b, F2a, F2b = _mid(
        seg1[0], seg1[1], x_pad, W1l.T, b1l.reshape(1, 256), W1r.T,
        W2p.T, b2p.reshape(1, 256), t2.reshape(1, 256))
    seg2a = _segsum(jnp.concatenate([E2a, F2a], axis=0), srcp, dstp, zrow)
    seg2b = _segsum(jnp.concatenate([E2b, F2b], axis=0), srcp, dstp, zrow)
    W2lT = W2l.T
    h2 = _combine2(seg2a[0], seg2b[0], seg2a[1], seg2b[1], h1,
                   W2lT[:128], W2lT[128:], b2l.reshape(1, 128), W2r.T)

    kf = k_mem.reshape(16, 128)
    kn2 = jnp.sum(kf * kf, axis=1).reshape(1, 16)
    M = jnp.kron(jnp.eye(4, dtype=f32), jnp.ones((4, 4), f32))
    P = jnp.kron(conv_w.reshape(4, 1), jnp.eye(4, dtype=f32))
    return _head(h2, kf.T, kn2, M, P, Wpool.T, bpool.reshape(1, 128),
                 Wf.T, bf.reshape(1, 128), gamma.reshape(1, 128),
                 beta.reshape(1, 128))

# --- scband reference (transcript-rebuilt; emitter-appended) ---
"""Pipeline reference for scband-market-graph-net-43903155699920 (READ-ONLY COPY).

The authoritative reference and input builder live on the scoring server;
editing this copy changes nothing except your own understanding.
"""

import jax, jax.numpy as jnp
import numpy as np

N_NODES = 10000
N_EDGES = 320000


def _sage_conv(x, edge_index, Wp, bp, t, Wl, bl, Wr):
    # PyG SAGEConv(project=True, normalize=True, aggr=SoftmaxAggregation(learn=True, channels=C))
    src = edge_index[0]
    dst = edge_index[1]
    xp = jax.nn.relu(x @ Wp.T + bp)          # project
    msg = xp[src]                             # gather messages [E, C]
    alpha = msg * t                           # learnable temperature, t: [1, C]
    amax = jax.ops.segment_max(alpha, dst, num_segments=N_NODES)
    amax = jnp.where(jnp.isfinite(amax), amax, 0.0)
    ex = jnp.exp(alpha - amax[dst])
    denom = jax.ops.segment_sum(ex, dst, num_segments=N_NODES) + 1e-16
    a = ex / denom[dst]                       # segment softmax weights
    agg = jax.ops.segment_sum(msg * a, dst, num_segments=N_NODES)
    out = agg @ Wl.T + bl + x @ Wr.T          # lin_l(agg) + lin_r(root, unprojected)
    nrm = jnp.sqrt(jnp.sum(out * out, axis=-1, keepdims=True))
    return out / jnp.maximum(nrm, 1e-12)     # F.normalize(p=2)


def _mem_pool(x, k, conv_w, Wlin, blin, tau=1.0):
    # PyG MemPooling(128, 128, heads=4, num_clusters=4), single graph (batch=None -> B=1)
    xb = x[None]
    B, N, C = xb.shape
    H, K = k.shape[0], k.shape[1]
    kf = k.reshape(H * K, C)
    xf = xb.reshape(B * N, C)
    d2 = jnp.sum(kf * kf, axis=1)[:, None] + jnp.sum(xf * xf, axis=1)[None, :] - 2.0 * kf @ xf.T
    d2 = jnp.maximum(d2, 0.0)                 # cdist(...)**2
    dist = (1.0 + d2 / tau) ** (-(tau + 1.0) / 2.0)
    dist = dist.reshape(H, K, B, N).transpose(2, 3, 0, 1)   # [B, N, H, K]
    dist = dist / jnp.sum(dist, axis=-1, keepdims=True)
    S = jnp.einsum('bnhk,h->bnk', dist, conv_w)             # Conv2d(H,1,1,bias=False)
    S = jax.nn.softmax(S, axis=-1)                          # mask is all-True for B=1
    xo = jnp.einsum('bnk,bnc->bkc', S, xb)
    xo = xo @ Wlin.T + blin
    return xo, S


def setup_inputs(seed: int = 0):
    key = jax.random.key(seed)
    ks = jax.random.split(key, 16)
    x = jax.random.normal(ks[0], (N_NODES, 128), dtype=jnp.float32)
    edge_index = jax.random.randint(ks[1], (2, N_EDGES), 0, N_NODES, dtype=jnp.int32)

    def w(i, shape, s=0.05):
        return jax.random.normal(ks[i], shape, dtype=jnp.float32) * s

    return {
        'x': x, 'edge_index': edge_index,
        'W1p': w(2, (128, 128)), 'b1p': jnp.zeros((128,), jnp.float32), 't1': jnp.ones((1, 128), jnp.float32),
        'W1l': w(3, (256, 128)), 'b1l': jnp.zeros((256,), jnp.float32), 'W1r': w(4, (256, 128)),
        'W2p': w(5, (256, 256)), 'b2p': jnp.zeros((256,), jnp.float32), 't2': jnp.ones((1, 256), jnp.float32),
        'W2l': w(6, (128, 256)), 'b2l': jnp.zeros((128,), jnp.float32), 'W2r': w(7, (128, 256)),
        'k_mem': w(8, (4, 4, 128), 0.5), 'conv_w': w(9, (4,), 0.5),
        'Wpool': w(10, (128, 128)), 'bpool': jnp.zeros((128,), jnp.float32),
        'Wf': w(11, (128, 128)), 'bf': jnp.zeros((128,), jnp.float32),
        'gamma': jnp.ones((128,), jnp.float32), 'beta': jnp.zeros((128,), jnp.float32),
    }


def reference(x, edge_index, W1p, b1p, t1, W1l, b1l, W1r, W2p, b2p, t2, W2l, b2l, W2r, k_mem, conv_w, Wpool, bpool, Wf, bf, gamma, beta):
    # dropout layers are identity in eval mode
    h = _sage_conv(x, edge_index, W1p, b1p, t1, W1l, b1l, W1r)
    h = jax.nn.relu(h)
    h = _sage_conv(h, edge_index, W2p, b2p, t2, W2l, b2l, W2r)
    h = jax.nn.relu(h)
    p, _S = _mem_pool(h, k_mem, conv_w, Wpool, bpool)        # [1, 4, 128]
    g = jnp.mean(p[0], axis=0, keepdims=True)                 # global_mean_pool(batch=None) -> [1, 128]
    o = g @ Wf.T + bf
    mu = jnp.mean(o, axis=-1, keepdims=True)
    var = jnp.var(o, axis=-1, keepdims=True)
    o = (o - mu) / jnp.sqrt(var + 1e-5) * gamma + beta        # LayerNorm
    return jax.nn.relu(o)

if __name__ == "__main__":
    import jax
    _d = setup_inputs()
    print(jax.jit(kernel)(*tuple(_d.values())))

</pallas_src>

<mosaic_0001>
#map = affine_map<(d0, d1) -> (0, 0)>
#map1 = affine_map<(d0, d1) -> (0)>
#map2 = affine_map<(d0, d1) -> (0, 0, 0)>
module attributes {stable_mosaic.version = 14 : i64} {
  func.func @_segsum_body(%arg0: i32, %arg1: i32, %arg2: memref<20480x128xf32, #tpu.memory_space<hbm>>, %arg3: memref<323584xi32, #tpu.memory_space<hbm>>, %arg4: memref<323584xi32, #tpu.memory_space<hbm>>, %arg5: memref<640x128xf32, #tpu.memory_space<hbm>>, %arg6: memref<2x10240x128xf32, #tpu.memory_space<hbm>>, %arg7: memref<10240x128xf32, #tpu.memory_space<vmem_shared>>, %arg8: memref<128xi32, #tpu.memory_space<vmem>>, %arg9: memref<128xi32, #tpu.memory_space<vmem>>, %arg10: memref<128xi32, #tpu.memory_space<vmem>>, %arg11: memref<128xi32, #tpu.memory_space<vmem>>, %arg12: memref<128x128xf32, #tpu.memory_space<vmem>>, %arg13: memref<128x128xf32, #tpu.memory_space<vmem>>, %arg14: memref<!tpu.dma_semaphore, #tpu.memory_space<semaphore_mem>>, %arg15: memref<!tpu.dma_semaphore, #tpu.memory_space<semaphore_mem>>, %arg16: memref<!tpu.dma_semaphore, #tpu.memory_space<semaphore_mem>>, %arg17: memref<!tpu.dma_semaphore, #tpu.memory_space<semaphore_mem>>) attributes {dimension_semantics = [#tpu.dimension_semantics<core_parallel>, #tpu.dimension_semantics<subcore_parallel>], iteration_bounds = array<i64: 2, 16>, scalar_prefetch = 0 : i64, scratch_operands = 11 : i64, tpu.core_type = #tpu.core_type<sc_vector_subcore>, window_params = [{transform_indices = #map}, {transform_indices = #map1}, {transform_indices = #map1}, {transform_indices = #map}, {transform_indices = #map2}]} {
    %mul3A = arith.constant 640 : i32
    %mul3A_0 = arith.muli %arg1, %mul3A : i32
    "tpu.region"() ({
      %run_scoped3A = tpu.sem_alloc : memref<!tpu.dma_semaphore, #tpu.memory_space<semaphore_mem>>
      %dma_start3A = arith.constant 0 : i32
      %dma_start3A_17 = tpu.memref_slice %arg7[%mul3A_0, %dma_start3A] : memref<10240x128xf32, #tpu.memory_space<vmem_shared>> -> memref<640x128xf32, #tpu.memory_space<vmem_shared>>
      tpu.enqueue_dma source(%arg5 : memref<640x128xf32, #tpu.memory_space<hbm>>) target(%dma_start3A_17 : memref<640x128xf32, #tpu.memory_space<vmem_shared>>) target_semaphore(%run_scoped3A : memref<!tpu.dma_semaphore, #tpu.memory_space<semaphore_mem>>)
      %dma_wait3A_18 = arith.constant 0 : i32
      %dma_wait3A_19 = tpu.memref_slice %arg7[%mul3A_0, %dma_wait3A_18] : memref<10240x128xf32, #tpu.memory_space<vmem_shared>> -> memref<640x128xf32, #tpu.memory_space<vmem_shared>>
      tpu.wait_dma2 semaphore(%run_scoped3A : memref<!tpu.dma_semaphore, #tpu.memory_space<semaphore_mem>>) src(%arg5 : memref<640x128xf32, #tpu.memory_space<hbm>>) dst(%dma_wait3A_19 : memref<640x128xf32, #tpu.memory_space<vmem_shared>>)
      tpu.yield
    }) : () -> ()
    %barrier3A = arith.constant 0 : index
    tpu.barrier barrier_id(%barrier3A)
    %mul3A_1 = arith.constant 10240 : i32
    %mul3A_2 = arith.muli %arg0, %mul3A_1 : i32
    %scan3A = arith.constant 0 : i32
    %scan3A_3 = arith.constant 79 : i32
    %scan3A_4 = arith.addi %scan3A, %scan3A_3 : i32
    %scan3A_5 = arith.constant 1 : i32
    scf.for %scan3A_17 = %scan3A to %scan3A_4 step %scan3A_5  : i32 {
      %mul3A_18 = arith.constant 1 : i32
      %mul3A_19 = arith.muli %scan3A_17, %mul3A_18 : i32
      %add3A = arith.constant 0 : i32
      %add3A_20 = arith.addi %add3A, %mul3A_19 : i32
      %mul3A_21 = arith.constant 158 : i32
      %mul3A_22 = arith.muli %arg1, %mul3A_21 : i32
      %mul3A_23 = arith.constant 2 : i32
      %mul3A_24 = arith.muli %mul3A_23, %add3A_20 : i32
      %add3A_25 = arith.addi %mul3A_22, %mul3A_24 : i32
      %mul3A_26 = arith.constant 128 : i32
      %mul3A_27 = arith.muli %add3A_25, %mul3A_26 : i32
      %gt3A = arith.constant 0 : i32
      %gt3A_28 = arith.cmpi sgt, %add3A_20, %gt3A : i32
      %convert_element_type3A = arith.extui %gt3A_28 : i1 to i32
      %cond3A = arith.constant 0 : i32
      %cond3A_29 = arith.cmpi ne, %convert_element_type3A, %cond3A : i32
      scf.if %cond3A_29 {
        %dma_wait3A_66 = arith.constant 0 : i32
        %dma_wait3A_67 = arith.constant 0 : i32
        %dma_wait3A_68 = tpu.memref_slice %arg7[%dma_wait3A_66, %dma_wait3A_67] : memref<10240x128xf32, #tpu.memory_space<vmem_shared>> -> memref<10240x128xf32, #tpu.memory_space<vmem_shared>>
        tpu.wait_indirect_dma semaphore(%arg16 : memref<!tpu.dma_semaphore, #tpu.memory_space<semaphore_mem>>) src(%arg12 : memref<128x128xf32, #tpu.memory_space<vmem>>) dst(%dma_wait3A_68 : memref<10240x128xf32, #tpu.memory_space<vmem_shared>>)
      } else {
      }
      "tpu.region"() ({
        %run_scoped3A = tpu.sem_alloc : memref<!tpu.dma_semaphore, #tpu.memory_space<semaphore_mem>>
        %dma_start3A_66 = tpu.memref_slice %arg3[%mul3A_27] : memref<323584xi32, #tpu.memory_space<hbm>> -> memref<128xi32, #tpu.memory_space<hbm>>
        %dma_start3A_67 = tpu.memref_slice %arg3[%mul3A_27] : memref<323584xi32, #tpu.memory_space<hbm>> -> memref<128xi32, #tpu.memory_space<hbm>>
        tpu.enqueue_dma source(%dma_start3A_67 : memref<128xi32, #tpu.memory_space<hbm>>) target(%arg8 : memref<128xi32, #tpu.memory_space<vmem>>) target_semaphore(%run_scoped3A : memref<!tpu.dma_semaphore, #tpu.memory_space<semaphore_mem>>)
        %dma_wait3A_68 = tpu.memref_slice %arg3[%mul3A_27] : memref<323584xi32, #tpu.memory_space<hbm>> -> memref<128xi32, #tpu.memory_space<hbm>>
        %dma_wait3A_69 = tpu.memref_slice %arg3[%mul3A_27] : memref<323584xi32, #tpu.memory_space<hbm>> -> memref<128xi32, #tpu.memory_space<hbm>>
        tpu.wait_dma2 semaphore(%run_scoped3A : memref<!tpu.dma_semaphore, #tpu.memory_space<semaphore_mem>>) src(%dma_wait3A_69 : memref<128xi32, #tpu.memory_space<hbm>>) dst(%arg8 : memref<128xi32, #tpu.memory_space<vmem>>)
        tpu.yield
      }) : () -> ()
      "tpu.region"() ({
        %run_scoped3A = tpu.sem_alloc : memref<!tpu.dma_semaphore, #tpu.memory_space<semaphore_mem>>
        %dma_start3A_66 = tpu.memref_slice %arg4[%mul3A_27] : memref<323584xi32, #tpu.memory_space<hbm>> -> memref<128xi32, #tpu.memory_space<hbm>>
        %dma_start3A_67 = tpu.memref_slice %arg4[%mul3A_27] : memref<323584xi32, #tpu.memory_space<hbm>> -> memref<128xi32, #tpu.memory_space<hbm>>
        tpu.enqueue_dma source(%dma_start3A_67 : memref<128xi32, #tpu.memory_space<hbm>>) target(%arg9 : memref<128xi32, #tpu.memory_space<vmem>>) target_semaphore(%run_scoped3A : memref<!tpu.dma_semaphore, #tpu.memory_space<semaphore_mem>>)
        %dma_wait3A_68 = tpu.memref_slice %arg4[%mul3A_27] : memref<323584xi32, #tpu.memory_space<hbm>> -> memref<128xi32, #tpu.memory_space<hbm>>
        %dma_wait3A_69 = tpu.memref_slice %arg4[%mul3A_27] : memref<323584xi32, #tpu.memory_space<hbm>> -> memref<128xi32, #tpu.memory_space<hbm>>
        tpu.wait_dma2 semaphore(%run_scoped3A : memref<!tpu.dma_semaphore, #tpu.memory_space<semaphore_mem>>) src(%dma_wait3A_69 : memref<128xi32, #tpu.memory_space<hbm>>) dst(%arg9 : memref<128xi32, #tpu.memory_space<vmem>>)
        tpu.yield
      }) : () -> ()
      %scan3A_30 = arith.constant 0 : i32
      %scan3A_31 = arith.constant 8 : i32
      %scan3A_32 = arith.addi %scan3A_30, %scan3A_31 : i32
      %scan3A_33 = arith.constant 1 : i32
      scf.for %scan3A_66 = %scan3A_30 to %scan3A_32 step %scan3A_33  : i32 {
        %mul3A_67 = arith.constant 1 : i32
        %mul3A_68 = arith.muli %scan3A_66, %mul3A_67 : i32
        %add3A_69 = arith.constant 0 : i32
        %add3A_70 = arith.addi %add3A_69, %mul3A_68 : i32
        %mul3A_71 = arith.constant 16 : i32
        %mul3A_72 = arith.muli %add3A_70, %mul3A_71 : i32
        %get3A = arith.index_cast %mul3A_72 : i32 to index
        %get3A_73 = tpu.vector_load %arg8[%get3A] {strides = array<i32>} : memref<128xi32, #tpu.memory_space<vmem>>, vector<16xi32>,
        %get3A_74 = vector.shape_cast %get3A_73 : vector<16xi32> to vector<16xi32>
        %add3A_75 = vector.broadcast %mul3A_2 : i32 to vector<16xi32>
        %add3A_76 = arith.addi %get3A_74, %add3A_75 : vector<16xi32>
        %swap3A = arith.index_cast %mul3A_72 : i32 to index
        %swap3A_77 = tpu.vector_load %arg8[%swap3A] {strides = array<i32>} : memref<128xi32, #tpu.memory_space<vmem>>, vector<16xi32>,
        %swap3A_78 = vector.shape_cast %swap3A_77 : vector<16xi32> to vector<16xi32>
        %swap3A_79 = vector.shape_cast %add3A_76 : vector<16xi32> to vector<16xi32>
        tpu.vector_store %arg8[%swap3A], %swap3A_79 {strides = array<i32>} : memref<128xi32, #tpu.memory_space<vmem>>, vector<16xi32>,
      }
      %scan3A_34 = arith.constant 8 : i32
      %dma_start3A = arith.constant 0 : i32
      %dma_start3A_35 = arith.constant 0 : i32
      %dma_start3A_36 = tpu.memref_slice %arg2[%dma_start3A, %dma_start3A_35] : memref<20480x128xf32, #tpu.memory_space<hbm>> -> memref<20480x128xf32, #tpu.memory_space<hbm>>
      tpu.enqueue_indirect_dma source(%dma_start3A_36 : memref<20480x128xf32, #tpu.memory_space<hbm>>) target(%arg12 : memref<128x128xf32, #tpu.memory_space<vmem>>) offsets(%arg8 : memref<128xi32, #tpu.memory_space<vmem>>) semaphore(%arg14 : memref<!tpu.dma_semaphore, #tpu.memory_space<semaphore_mem>>)
      %gt3A_37 = arith.constant 0 : i32
      %gt3A_38 = arith.cmpi sgt, %add3A_20, %gt3A_37 : i32
      %convert_element_type3A_39 = arith.extui %gt3A_38 : i1 to i32
      %cond3A_40 = arith.constant 0 : i32
      %cond3A_41 = arith.cmpi ne, %convert_element_type3A_39, %cond3A_40 : i32
      scf.if %cond3A_41 {
        %dma_wait3A_66 = arith.constant 0 : i32
        %dma_wait3A_67 = arith.constant 0 : i32
        %dma_wait3A_68 = tpu.memref_slice %arg7[%dma_wait3A_66, %dma_wait3A_67] : memref<10240x128xf32, #tpu.memory_space<vmem_shared>> -> memref<10240x128xf32, #tpu.memory_space<vmem_shared>>
        tpu.wait_indirect_dma semaphore(%arg17 : memref<!tpu.dma_semaphore, #tpu.memory_space<semaphore_mem>>) src(%arg13 : memref<128x128xf32, #tpu.memory_space<vmem>>) dst(%dma_wait3A_68 : memref<10240x128xf32, #tpu.memory_space<vmem_shared>>)
      } else {
      }
      %add3A_42 = arith.constant 128 : i32
      %add3A_43 = arith.addi %mul3A_27, %add3A_42 : i32
      "tpu.region"() ({
        %run_scoped3A = tpu.sem_alloc : memref<!tpu.dma_semaphore, #tpu.memory_space<semaphore_mem>>
        %dma_start3A_66 = tpu.memref_slice %arg3[%add3A_43] : memref<323584xi32, #tpu.memory_space<hbm>> -> memref<128xi32, #tpu.memory_space<hbm>>
        %dma_start3A_67 = tpu.memref_slice %arg3[%add3A_43] : memref<323584xi32, #tpu.memory_space<hbm>> -> memref<128xi32, #tpu.memory_space<hbm>>
        tpu.enqueue_dma source(%dma_start3A_67 : memref<128xi32, #tpu.memory_space<hbm>>) target(%arg10 : memref<128xi32, #tpu.memory_space<vmem>>) target_semaphore(%run_scoped3A : memref<!tpu.dma_semaphore, #tpu.memory_space<semaphore_mem>>)
        %dma_wait3A_68 = tpu.memref_slice %arg3[%add3A_43] : memref<323584xi32, #tpu.memory_space<hbm>> -> memref<128xi32, #tpu.memory_space<hbm>>
        %dma_wait3A_69 = tpu.memref_slice %arg3[%add3A_43] : memref<323584xi32, #tpu.memory_space<hbm>> -> memref<128xi32, #tpu.memory_space<hbm>>
        tpu.wait_dma2 semaphore(%run_scoped3A : memref<!tpu.dma_semaphore, #tpu.memory_space<semaphore_mem>>) src(%dma_wait3A_69 : memref<128xi32, #tpu.memory_space<hbm>>) dst(%arg10 : memref<128xi32, #tpu.memory_space<vmem>>)
        tpu.yield
      }) : () -> ()
      %add3A_44 = arith.constant 128 : i32
      %add3A_45 = arith.addi %mul3A_27, %add3A_44 : i32
      "tpu.region"() ({
        %run_scoped3A = tpu.sem_alloc : memref<!tpu.dma_semaphore, #tpu.memory_space<semaphore_mem>>
        %dma_start3A_66 = tpu.memref_slice %arg4[%add3A_45] : memref<323584xi32, #tpu.memory_space<hbm>> -> memref<128xi32, #tpu.memory_space<hbm>>
        %dma_start3A_67 = tpu.memref_slice %arg4[%add3A_45] : memref<323584xi32, #tpu.memory_space<hbm>> -> memref<128xi32, #tpu.memory_space<hbm>>
        tpu.enqueue_dma source(%dma_start3A_67 : memref<128xi32, #tpu.memory_space<hbm>>) target(%arg11 : memref<128xi32, #tpu.memory_space<vmem>>) target_semaphore(%run_scoped3A : memref<!tpu.dma_semaphore, #tpu.memory_space<semaphore_mem>>)
        %dma_wait3A_68 = tpu.memref_slice %arg4[%add3A_45] : memref<323584xi32, #tpu.memory_space<hbm>> -> memref<128xi32, #tpu.memory_space<hbm>>
        %dma_wait3A_69 = tpu.memref_slice %arg4[%add3A_45] : memref<323584xi32, #tpu.memory_space<hbm>> -> memref<128xi32, #tpu.memory_space<hbm>>
        tpu.wait_dma2 semaphore(%run_scoped3A : memref<!tpu.dma_semaphore, #tpu.memory_space<semaphore_mem>>) src(%dma_wait3A_69 : memref<128xi32, #tpu.memory_space<hbm>>) dst(%arg11 : memref<128xi32, #tpu.memory_space<vmem>>)
        tpu.yield
      }) : () -> ()
      %scan3A_46 = arith.constant 0 : i32
      %scan3A_47 = arith.constant 8 : i32
      %scan3A_48 = arith.addi %scan3A_46, %scan3A_47 : i32
      %scan3A_49 = arith.constant 1 : i32
      scf.for %scan3A_66 = %scan3A_46 to %scan3A_48 step %scan3A_49  : i32 {
        %mul3A_67 = arith.constant 1 : i32
        %mul3A_68 = arith.muli %scan3A_66, %mul3A_67 : i32
        %add3A_69 = arith.constant 0 : i32
        %add3A_70 = arith.addi %add3A_69, %mul3A_68 : i32
        %mul3A_71 = arith.constant 16 : i32
        %mul3A_72 = arith.muli %add3A_70, %mul3A_71 : i32
        %get3A = arith.index_cast %mul3A_72 : i32 to index
        %get3A_73 = tpu.vector_load %arg10[%get3A] {strides = array<i32>} : memref<128xi32, #tpu.memory_space<vmem>>, vector<16xi32>,
        %get3A_74 = vector.shape_cast %get3A_73 : vector<16xi32> to vector<16xi32>
        %add3A_75 = vector.broadcast %mul3A_2 : i32 to vector<16xi32>
        %add3A_76 = arith.addi %get3A_74, %add3A_75 : vector<16xi32>
        %swap3A = arith.index_cast %mul3A_72 : i32 to index
        %swap3A_77 = tpu.vector_load %arg10[%swap3A] {strides = array<i32>} : memref<128xi32, #tpu.memory_space<vmem>>, vector<16xi32>,
        %swap3A_78 = vector.shape_cast %swap3A_77 : vector<16xi32> to vector<16xi32>
        %swap3A_79 = vector.shape_cast %add3A_76 : vector<16xi32> to vector<16xi32>
        tpu.vector_store %arg10[%swap3A], %swap3A_79 {strides = array<i32>} : memref<128xi32, #tpu.memory_space<vmem>>, vector<16xi32>,
      }
      %scan3A_50 = arith.constant 8 : i32
      %dma_wait3A_51 = arith.constant 0 : i32
      %dma_wait3A_52 = arith.constant 0 : i32
      %dma_wait3A_53 = tpu.memref_slice %arg2[%dma_wait3A_51, %dma_wait3A_52] : memref<20480x128xf32, #tpu.memory_space<hbm>> -> memref<20480x128xf32, #tpu.memory_space<hbm>>
      tpu.wait_indirect_dma semaphore(%arg14 : memref<!tpu.dma_semaphore, #tpu.memory_space<semaphore_mem>>) src(%dma_wait3A_53 : memref<20480x128xf32, #tpu.memory_space<hbm>>) dst(%arg12 : memref<128x128xf32, #tpu.memory_space<vmem>>)
      %dma_start3A_54 = arith.constant 0 : i32
      %dma_start3A_55 = arith.constant 0 : i32
      %dma_start3A_56 = tpu.memref_slice %arg7[%dma_start3A_54, %dma_start3A_55] : memref<10240x128xf32, #tpu.memory_space<vmem_shared>> -> memref<10240x128xf32, #tpu.memory_space<vmem_shared>>
      tpu.enqueue_indirect_dma source(%arg12 : memref<128x128xf32, #tpu.memory_space<vmem>>) target(%dma_start3A_56 : memref<10240x128xf32, #tpu.memory_space<vmem_shared>>) offsets(%arg9 : memref<128xi32, #tpu.memory_space<vmem>>) semaphore(%arg16 : memref<!tpu.dma_semaphore, #tpu.memory_space<semaphore_mem>>) {add = true}
      %dma_start3A_57 = arith.constant 0 : i32
      %dma_start3A_58 = arith.constant 0 : i32
      %dma_start3A_59 = tpu.memref_slice %arg2[%dma_start3A_57, %dma_start3A_58] : memref<20480x128xf32, #tpu.memory_space<hbm>> -> memref<20480x128xf32, #tpu.memory_space<hbm>>
      tpu.enqueue_indirect_dma source(%dma_start3A_59 : memref<20480x128xf32, #tpu.memory_space<hbm>>) target(%arg13 : memref<128x128xf32, #tpu.memory_space<vmem>>) offsets(%arg10 : memref<128xi32, #tpu.memory_space<vmem>>) semaphore(%arg15 : memref<!tpu.dma_semaphore, #tpu.memory_space<semaphore_mem>>)
      %dma_wait3A_60 = arith.constant 0 : i32
      %dma_wait3A_61 = arith.constant 0 : i32
      %dma_wait3A_62 = tpu.memref_slice %arg2[%dma_wait3A_60, %dma_wait3A_61] : memref<20480x128xf32, #tpu.memory_space<hbm>> -> memref<20480x128xf32, #tpu.memory_space<hbm>>
      tpu.wait_indirect_dma semaphore(%arg15 : memref<!tpu.dma_semaphore, #tpu.memory_space<semaphore_mem>>) src(%dma_wait3A_62 : memref<20480x128xf32, #tpu.memory_space<hbm>>) dst(%arg13 : memref<128x128xf32, #tpu.memory_space<vmem>>)
      %dma_start3A_63 = arith.constant 0 : i32
      %dma_start3A_64 = arith.constant 0 : i32
      %dma_start3A_65 = tpu.memref_slice %arg7[%dma_start3A_63, %dma_start3A_64] : memref<10240x128xf32, #tpu.memory_space<vmem_shared>> -> memref<10240x128xf32, #tpu.memory_space<vmem_shared>>
      tpu.enqueue_indirect_dma source(%arg13 : memref<128x128xf32, #tpu.memory_space<vmem>>) target(%dma_start3A_65 : memref<10240x128xf32, #tpu.memory_space<vmem_shared>>) offsets(%arg11 : memref<128xi32, #tpu.memory_space<vmem>>) semaphore(%arg17 : memref<!tpu.dma_semaphore, #tpu.memory_space<semaphore_mem>>) {add = true}
    }
    %scan3A_6 = arith.constant 79 : i32
    %dma_wait3A = arith.constant 0 : i32
    %dma_wait3A_7 = arith.constant 0 : i32
    %dma_wait3A_8 = tpu.memref_slice %arg7[%dma_wait3A, %dma_wait3A_7] : memref<10240x128xf32, #tpu.memory_space<vmem_shared>> -> memref<10240x128xf32, #tpu.memory_space<vmem_shared>>
    tpu.wait_indirect_dma semaphore(%arg16 : memref<!tpu.dma_semaphore, #tpu.memory_space<semaphore_mem>>) src(%arg12 : memref<128x128xf32, #tpu.memory_space<vmem>>) dst(%dma_wait3A_8 : memref<10240x128xf32, #tpu.memory_space<vmem_shared>>)
    %dma_wait3A_9 = arith.constant 0 : i32
    %dma_wait3A_10 = arith.constant 0 : i32
    %dma_wait3A_11 = tpu.memref_slice %arg7[%dma_wait3A_9, %dma_wait3A_10] : memref<10240x128xf32, #tpu.memory_space<vmem_shared>> -> memref<10240x128xf32, #tpu.memory_space<vmem_shared>>
    tpu.wait_indirect_dma semaphore(%arg17 : memref<!tpu.dma_semaphore, #tpu.memory_space<semaphore_mem>>) src(%arg13 : memref<128x128xf32, #tpu.memory_space<vmem>>) dst(%dma_wait3A_11 : memref<10240x128xf32, #tpu.memory_space<vmem_shared>>)
    %barrier3A_12 = arith.constant 0 : index
    tpu.barrier barrier_id(%barrier3A_12)
    %mul3A_13 = arith.constant 640 : i32
    %mul3A_14 = arith.muli %arg1, %mul3A_13 : i32
    %mul3A_15 = arith.constant 640 : i32
    %mul3A_16 = arith.muli %arg1, %mul3A_15 : i32
    "tpu.region"() ({
      %run_scoped3A = tpu.sem_alloc : memref<!tpu.dma_semaphore, #tpu.memory_space<semaphore_mem>>
      %dma_start3A = arith.constant 0 : i32
      %dma_start3A_17 = tpu.memref_slice %arg6[%arg0, %mul3A_16, %dma_start3A] : memref<2x10240x128xf32, #tpu.memory_space<hbm>> -> memref<1x640x128xf32, #tpu.memory_space<hbm>>
      %dma_start3A_18 = tpu.memref_squeeze %dma_start3A_17 : memref<1x640x128xf32, #tpu.memory_space<hbm>> -> memref<640x128xf32, #tpu.memory_space<hbm>>
      %dma_start3A_19 = arith.constant 0 : i32
      %dma_start3A_20 = tpu.memref_slice %arg7[%mul3A_14, %dma_start3A_19] : memref<10240x128xf32, #tpu.memory_space<vmem_shared>> -> memref<640x128xf32, #tpu.memory_space<vmem_shared>>
      tpu.enqueue_dma source(%dma_start3A_20 : memref<640x128xf32, #tpu.memory_space<vmem_shared>>) target(%dma_start3A_18 : memref<640x128xf32, #tpu.memory_space<hbm>>) target_semaphore(%run_scoped3A : memref<!tpu.dma_semaphore, #tpu.memory_space<semaphore_mem>>)
      %dma_wait3A_21 = arith.constant 0 : i32
      %dma_wait3A_22 = tpu.memref_slice %arg6[%arg0, %mul3A_16, %dma_wait3A_21] : memref<2x10240x128xf32, #tpu.memory_space<hbm>> -> memref<1x640x128xf32, #tpu.memory_space<hbm>>
      %dma_wait3A_23 = tpu.memref_squeeze %dma_wait3A_22 : memref<1x640x128xf32, #tpu.memory_space<hbm>> -> memref<640x128xf32, #tpu.memory_space<hbm>>
      %dma_wait3A_24 = arith.constant 0 : i32
      %dma_wait3A_25 = tpu.memref_slice %arg7[%mul3A_14, %dma_wait3A_24] : memref<10240x128xf32, #tpu.memory_space<vmem_shared>> -> memref<640x128xf32, #tpu.memory_space<vmem_shared>>
      tpu.wait_dma2 semaphore(%run_scoped3A : memref<!tpu.dma_semaphore, #tpu.memory_space<semaphore_mem>>) src(%dma_wait3A_25 : memref<640x128xf32, #tpu.memory_space<vmem_shared>>) dst(%dma_wait3A_23 : memref<640x128xf32, #tpu.memory_space<hbm>>)
      tpu.yield
    }) : () -> ()
    return
  }
}

#map = affine_map<(d0, d1) -> (0, 0)>
#map1 = affine_map<(d0, d1) -> (0)>
#map2 = affine_map<(d0, d1) -> (0, 0, 0)>
module attributes {stable_mosaic.version = 14 : i64} {
  func.func @_segsum_body(%arg0: i32, %arg1: i32, %arg2: memref<20480x128xf32, #tpu.memory_space<hbm>>, %arg3: memref<323584xi32, #tpu.memory_space<hbm>>, %arg4: memref<323584xi32, #tpu.memory_space<hbm>>, %arg5: memref<640x128xf32, #tpu.memory_space<hbm>>, %arg6: memref<2x10240x128xf32, #tpu.memory_space<hbm>>, %arg7: memref<10240x128xf32, #tpu.memory_space<vmem_shared>>, %arg8: memref<128xi32, #tpu.memory_space<vmem>>, %arg9: memref<128xi32, #tpu.memory_space<vmem>>, %arg10: memref<128xi32, #tpu.memory_space<vmem>>, %arg11: memref<128xi32, #tpu.memory_space<vmem>>, %arg12: memref<128x128xf32, #tpu.memory_space<vmem>>, %arg13: memref<128x128xf32, #tpu.memory_space<vmem>>, %arg14: memref<!tpu.dma_semaphore, #tpu.memory_space<semaphore_mem>>, %arg15: memref<!tpu.dma_semaphore, #tpu.memory_space<semaphore_mem>>, %arg16: memref<!tpu.dma_semaphore, #tpu.memory_space<semaphore_mem>>, %arg17: memref<!tpu.dma_semaphore, #tpu.memory_space<semaphore_mem>>) attributes {dimension_semantics = [#tpu.dimension_semantics<core_parallel>, #tpu.dimension_semantics<subcore_parallel>], iteration_bounds = array<i64: 2, 16>, scalar_prefetch = 0 : i64, scratch_operands = 11 : i64, tpu.core_type = #tpu.core_type<sc_vector_subcore>, window_params = [{transform_indices = #map}, {transform_indices = #map1}, {transform_indices = #map1}, {transform_indices = #map}, {transform_indices = #map2}]} {
    %mul3A = arith.constant 640 : i32
    %mul3A_0 = arith.muli %arg1, %mul3A : i32
    "tpu.region"() ({
      %run_scoped3A = tpu.sem_alloc : memref<!tpu.dma_semaphore, #tpu.memory_space<semaphore_mem>>
      %dma_start3A = arith.constant 0 : i32
      %dma_start3A_17 = tpu.memref_slice %arg7[%mul3A_0, %dma_start3A] : memref<10240x128xf32, #tpu.memory_space<vmem_shared>> -> memref<640x128xf32, #tpu.memory_space<vmem_shared>>
      tpu.enqueue_dma source(%arg5 : memref<640x128xf32, #tpu.memory_space<hbm>>) target(%dma_start3A_17 : memref<640x128xf32, #tpu.memory_space<vmem_shared>>) target_semaphore(%run_scoped3A : memref<!tpu.dma_semaphore, #tpu.memory_space<semaphore_mem>>)
      %dma_wait3A_18 = arith.constant 0 : i32
      %dma_wait3A_19 = tpu.memref_slice %arg7[%mul3A_0, %dma_wait3A_18] : memref<10240x128xf32, #tpu.memory_space<vmem_shared>> -> memref<640x128xf32, #tpu.memory_space<vmem_shared>>
      tpu.wait_dma2 semaphore(%run_scoped3A : memref<!tpu.dma_semaphore, #tpu.memory_space<semaphore_mem>>) src(%arg5 : memref<640x128xf32, #tpu.memory_space<hbm>>) dst(%dma_wait3A_19 : memref<640x128xf32, #tpu.memory_space<vmem_shared>>)
      tpu.yield
    }) : () -> ()
    %barrier3A = arith.constant 0 : index
    tpu.barrier barrier_id(%barrier3A)
    %mul3A_1 = arith.constant 10240 : i32
    %mul3A_2 = arith.muli %arg0, %mul3A_1 : i32
    %scan3A = arith.constant 0 : i32
    %scan3A_3 = arith.constant 79 : i32
    %scan3A_4 = arith.addi %scan3A, %scan3A_3 : i32
    %scan3A_5 = arith.constant 1 : i32
    scf.for %scan3A_17 = %scan3A to %scan3A_4 step %scan3A_5  : i32 {
      %mul3A_18 = arith.constant 1 : i32
      %mul3A_19 = arith.muli %scan3A_17, %mul3A_18 : i32
      %add3A = arith.constant 0 : i32
      %add3A_20 = arith.addi %add3A, %mul3A_19 : i32
      %mul3A_21 = arith.constant 158 : i32
      %mul3A_22 = arith.muli %arg1, %mul3A_21 : i32
      %mul3A_23 = arith.constant 2 : i32
      %mul3A_24 = arith.muli %mul3A_23, %add3A_20 : i32
      %add3A_25 = arith.addi %mul3A_22, %mul3A_24 : i32
      %mul3A_26 = arith.constant 128 : i32
      %mul3A_27 = arith.muli %add3A_25, %mul3A_26 : i32
      %gt3A = arith.constant 0 : i32
      %gt3A_28 = arith.cmpi sgt, %add3A_20, %gt3A : i32
      %convert_element_type3A = arith.extui %gt3A_28 : i1 to i32
      %cond3A = arith.constant 0 : i32
      %cond3A_29 = arith.cmpi ne, %convert_element_type3A, %cond3A : i32
      scf.if %cond3A_29 {
        %dma_wait3A_66 = arith.constant 0 : i32
        %dma_wait3A_67 = arith.constant 0 : i32
        %dma_wait3A_68 = tpu.memref_slice %arg7[%dma_wait3A_66, %dma_wait3A_67] : memref<10240x128xf32, #tpu.memory_space<vmem_shared>> -> memref<10240x128xf32, #tpu.memory_space<vmem_shared>>
        tpu.wait_indirect_dma semaphore(%arg16 : memref<!tpu.dma_semaphore, #tpu.memory_space<semaphore_mem>>) src(%arg12 : memref<128x128xf32, #tpu.memory_space<vmem>>) dst(%dma_wait3A_68 : memref<10240x128xf32, #tpu.memory_space<vmem_shared>>)
      } else {
      }
      "tpu.region"() ({
        %run_scoped3A = tpu.sem_alloc : memref<!tpu.dma_semaphore, #tpu.memory_space<semaphore_mem>>
        %dma_start3A_66 = tpu.memref_slice %arg3[%mul3A_27] : memref<323584xi32, #tpu.memory_space<hbm>> -> memref<128xi32, #tpu.memory_space<hbm>>
        %dma_start3A_67 = tpu.memref_slice %arg3[%mul3A_27] : memref<323584xi32, #tpu.memory_space<hbm>> -> memref<128xi32, #tpu.memory_space<hbm>>
        tpu.enqueue_dma source(%dma_start3A_67 : memref<128xi32, #tpu.memory_space<hbm>>) target(%arg8 : memref<128xi32, #tpu.memory_space<vmem>>) target_semaphore(%run_scoped3A : memref<!tpu.dma_semaphore, #tpu.memory_space<semaphore_mem>>)
        %dma_wait3A_68 = tpu.memref_slice %arg3[%mul3A_27] : memref<323584xi32, #tpu.memory_space<hbm>> -> memref<128xi32, #tpu.memory_space<hbm>>
        %dma_wait3A_69 = tpu.memref_slice %arg3[%mul3A_27] : memref<323584xi32, #tpu.memory_space<hbm>> -> memref<128xi32, #tpu.memory_space<hbm>>
        tpu.wait_dma2 semaphore(%run_scoped3A : memref<!tpu.dma_semaphore, #tpu.memory_space<semaphore_mem>>) src(%dma_wait3A_69 : memref<128xi32, #tpu.memory_space<hbm>>) dst(%arg8 : memref<128xi32, #tpu.memory_space<vmem>>)
        tpu.yield
      }) : () -> ()
      "tpu.region"() ({
        %run_scoped3A = tpu.sem_alloc : memref<!tpu.dma_semaphore, #tpu.memory_space<semaphore_mem>>
        %dma_start3A_66 = tpu.memref_slice %arg4[%mul3A_27] : memref<323584xi32, #tpu.memory_space<hbm>> -> memref<128xi32, #tpu.memory_space<hbm>>
        %dma_start3A_67 = tpu.memref_slice %arg4[%mul3A_27] : memref<323584xi32, #tpu.memory_space<hbm>> -> memref<128xi32, #tpu.memory_space<hbm>>
        tpu.enqueue_dma source(%dma_start3A_67 : memref<128xi32, #tpu.memory_space<hbm>>) target(%arg9 : memref<128xi32, #tpu.memory_space<vmem>>) target_semaphore(%run_scoped3A : memref<!tpu.dma_semaphore, #tpu.memory_space<semaphore_mem>>)
        %dma_wait3A_68 = tpu.memref_slice %arg4[%mul3A_27] : memref<323584xi32, #tpu.memory_space<hbm>> -> memref<128xi32, #tpu.memory_space<hbm>>
        %dma_wait3A_69 = tpu.memref_slice %arg4[%mul3A_27] : memref<323584xi32, #tpu.memory_space<hbm>> -> memref<128xi32, #tpu.memory_space<hbm>>
        tpu.wait_dma2 semaphore(%run_scoped3A : memref<!tpu.dma_semaphore, #tpu.memory_space<semaphore_mem>>) src(%dma_wait3A_69 : memref<128xi32, #tpu.memory_space<hbm>>) dst(%arg9 : memref<128xi32, #tpu.memory_space<vmem>>)
        tpu.yield
      }) : () -> ()
      %scan3A_30 = arith.constant 0 : i32
      %scan3A_31 = arith.constant 8 : i32
      %scan3A_32 = arith.addi %scan3A_30, %scan3A_31 : i32
      %scan3A_33 = arith.constant 1 : i32
      scf.for %scan3A_66 = %scan3A_30 to %scan3A_32 step %scan3A_33  : i32 {
        %mul3A_67 = arith.constant 1 : i32
        %mul3A_68 = arith.muli %scan3A_66, %mul3A_67 : i32
        %add3A_69 = arith.constant 0 : i32
        %add3A_70 = arith.addi %add3A_69, %mul3A_68 : i32
        %mul3A_71 = arith.constant 16 : i32
        %mul3A_72 = arith.muli %add3A_70, %mul3A_71 : i32
        %get3A = arith.index_cast %mul3A_72 : i32 to index
        %get3A_73 = tpu.vector_load %arg8[%get3A] {strides = array<i32>} : memref<128xi32, #tpu.memory_space<vmem>>, vector<16xi32>,
        %get3A_74 = vector.shape_cast %get3A_73 : vector<16xi32> to vector<16xi32>
        %add3A_75 = vector.broadcast %mul3A_2 : i32 to vector<16xi32>
        %add3A_76 = arith.addi %get3A_74, %add3A_75 : vector<16xi32>
        %swap3A = arith.index_cast %mul3A_72 : i32 to index
        %swap3A_77 = tpu.vector_load %arg8[%swap3A] {strides = array<i32>} : memref<128xi32, #tpu.memory_space<vmem>>, vector<16xi32>,
        %swap3A_78 = vector.shape_cast %swap3A_77 : vector<16xi32> to vector<16xi32>
        %swap3A_79 = vector.shape_cast %add3A_76 : vector<16xi32> to vector<16xi32>
        tpu.vector_store %arg8[%swap3A], %swap3A_79 {strides = array<i32>} : memref<128xi32, #tpu.memory_space<vmem>>, vector<16xi32>,
      }
      %scan3A_34 = arith.constant 8 : i32
      %dma_start3A = arith.constant 0 : i32
      %dma_start3A_35 = arith.constant 0 : i32
      %dma_start3A_36 = tpu.memref_slice %arg2[%dma_start3A, %dma_start3A_35] : memref<20480x128xf32, #tpu.memory_space<hbm>> -> memref<20480x128xf32, #tpu.memory_space<hbm>>
      tpu.enqueue_indirect_dma source(%dma_start3A_36 : memref<20480x128xf32, #tpu.memory_space<hbm>>) target(%arg12 : memref<128x128xf32, #tpu.memory_space<vmem>>) offsets(%arg8 : memref<128xi32, #tpu.memory_space<vmem>>) semaphore(%arg14 : memref<!tpu.dma_semaphore, #tpu.memory_space<semaphore_mem>>)
      %gt3A_37 = arith.constant 0 : i32
      %gt3A_38 = arith.cmpi sgt, %add3A_20, %gt3A_37 : i32
      %convert_element_type3A_39 = arith.extui %gt3A_38 : i1 to i32
      %cond3A_40 = arith.constant 0 : i32
      %cond3A_41 = arith.cmpi ne, %convert_element_type3A_39, %cond3A_40 : i32
      scf.if %cond3A_41 {
        %dma_wait3A_66 = arith.constant 0 : i32
        %dma_wait3A_67 = arith.constant 0 : i32
        %dma_wait3A_68 = tpu.memref_slice %arg7[%dma_wait3A_66, %dma_wait3A_67] : memref<10240x128xf32, #tpu.memory_space<vmem_shared>> -> memref<10240x128xf32, #tpu.memory_space<vmem_shared>>
        tpu.wait_indirect_dma semaphore(%arg17 : memref<!tpu.dma_semaphore, #tpu.memory_space<semaphore_mem>>) src(%arg13 : memref<128x128xf32, #tpu.memory_space<vmem>>) dst(%dma_wait3A_68 : memref<10240x128xf32, #tpu.memory_space<vmem_shared>>)
      } else {
      }
      %add3A_42 = arith.constant 128 : i32
      %add3A_43 = arith.addi %mul3A_27, %add3A_42 : i32
      "tpu.region"() ({
        %run_scoped3A = tpu.sem_alloc : memref<!tpu.dma_semaphore, #tpu.memory_space<semaphore_mem>>
        %dma_start3A_66 = tpu.memref_slice %arg3[%add3A_43] : memref<323584xi32, #tpu.memory_space<hbm>> -> memref<128xi32, #tpu.memory_space<hbm>>
        %dma_start3A_67 = tpu.memref_slice %arg3[%add3A_43] : memref<323584xi32, #tpu.memory_space<hbm>> -> memref<128xi32, #tpu.memory_space<hbm>>
        tpu.enqueue_dma source(%dma_start3A_67 : memref<128xi32, #tpu.memory_space<hbm>>) target(%arg10 : memref<128xi32, #tpu.memory_space<vmem>>) target_semaphore(%run_scoped3A : memref<!tpu.dma_semaphore, #tpu.memory_space<semaphore_mem>>)
        %dma_wait3A_68 = tpu.memref_slice %arg3[%add3A_43] : memref<323584xi32, #tpu.memory_space<hbm>> -> memref<128xi32, #tpu.memory_space<hbm>>
        %dma_wait3A_69 = tpu.memref_slice %arg3[%add3A_43] : memref<323584xi32, #tpu.memory_space<hbm>> -> memref<128xi32, #tpu.memory_space<hbm>>
        tpu.wait_dma2 semaphore(%run_scoped3A : memref<!tpu.dma_semaphore, #tpu.memory_space<semaphore_mem>>) src(%dma_wait3A_69 : memref<128xi32, #tpu.memory_space<hbm>>) dst(%arg10 : memref<128xi32, #tpu.memory_space<vmem>>)
        tpu.yield
      }) : () -> ()
      %add3A_44 = arith.constant 128 : i32
      %add3A_45 = arith.addi %mul3A_27, %add3A_44 : i32
      "tpu.region"() ({
        %run_scoped3A = tpu.sem_alloc : memref<!tpu.dma_semaphore, #tpu.memory_space<semaphore_mem>>
        %dma_start3A_66 = tpu.memref_slice %arg4[%add3A_45] : memref<323584xi32, #tpu.memory_space<hbm>> -> memref<128xi32, #tpu.memory_space<hbm>>
        %dma_start3A_67 = tpu.memref_slice %arg4[%add3A_45] : memref<323584xi32, #tpu.memory_space<hbm>> -> memref<128xi32, #tpu.memory_space<hbm>>
        tpu.enqueue_dma source(%dma_start3A_67 : memref<128xi32, #tpu.memory_space<hbm>>) target(%arg11 : memref<128xi32, #tpu.memory_space<vmem>>) target_semaphore(%run_scoped3A : memref<!tpu.dma_semaphore, #tpu.memory_space<semaphore_mem>>)
        %dma_wait3A_68 = tpu.memref_slice %arg4[%add3A_45] : memref<323584xi32, #tpu.memory_space<hbm>> -> memref<128xi32, #tpu.memory_space<hbm>>
        %dma_wait3A_69 = tpu.memref_slice %arg4[%add3A_45] : memref<323584xi32, #tpu.memory_space<hbm>> -> memref<128xi32, #tpu.memory_space<hbm>>
        tpu.wait_dma2 semaphore(%run_scoped3A : memref<!tpu.dma_semaphore, #tpu.memory_space<semaphore_mem>>) src(%dma_wait3A_69 : memref<128xi32, #tpu.memory_space<hbm>>) dst(%arg11 : memref<128xi32, #tpu.memory_space<vmem>>)
        tpu.yield
      }) : () -> ()
      %scan3A_46 = arith.constant 0 : i32
      %scan3A_47 = arith.constant 8 : i32
      %scan3A_48 = arith.addi %scan3A_46, %scan3A_47 : i32
      %scan3A_49 = arith.constant 1 : i32
      scf.for %scan3A_66 = %scan3A_46 to %scan3A_48 step %scan3A_49  : i32 {
        %mul3A_67 = arith.constant 1 : i32
        %mul3A_68 = arith.muli %scan3A_66, %mul3A_67 : i32
        %add3A_69 = arith.constant 0 : i32
        %add3A_70 = arith.addi %add3A_69, %mul3A_68 : i32
        %mul3A_71 = arith.constant 16 : i32
        %mul3A_72 = arith.muli %add3A_70, %mul3A_71 : i32
        %get3A = arith.index_cast %mul3A_72 : i32 to index
        %get3A_73 = tpu.vector_load %arg10[%get3A] {strides = array<i32>} : memref<128xi32, #tpu.memory_space<vmem>>, vector<16xi32>,
        %get3A_74 = vector.shape_cast %get3A_73 : vector<16xi32> to vector<16xi32>
        %add3A_75 = vector.broadcast %mul3A_2 : i32 to vector<16xi32>
        %add3A_76 = arith.addi %get3A_74, %add3A_75 : vector<16xi32>
        %swap3A = arith.index_cast %mul3A_72 : i32 to index
        %swap3A_77 = tpu.vector_load %arg10[%swap3A] {strides = array<i32>} : memref<128xi32, #tpu.memory_space<vmem>>, vector<16xi32>,
        %swap3A_78 = vector.shape_cast %swap3A_77 : vector<16xi32> to vector<16xi32>
        %swap3A_79 = vector.shape_cast %add3A_76 : vector<16xi32> to vector<16xi32>
        tpu.vector_store %arg10[%swap3A], %swap3A_79 {strides = array<i32>} : memref<128xi32, #tpu.memory_space<vmem>>, vector<16xi32>,
      }
      %scan3A_50 = arith.constant 8 : i32
      %dma_wait3A_51 = arith.constant 0 : i32
      %dma_wait3A_52 = arith.constant 0 : i32
      %dma_wait3A_53 = tpu.memref_slice %arg2[%dma_wait3A_51, %dma_wait3A_52] : memref<20480x128xf32, #tpu.memory_space<hbm>> -> memref<20480x128xf32, #tpu.memory_space<hbm>>
      tpu.wait_indirect_dma semaphore(%arg14 : memref<!tpu.dma_semaphore, #tpu.memory_space<semaphore_mem>>) src(%dma_wait3A_53 : memref<20480x128xf32, #tpu.memory_space<hbm>>) dst(%arg12 : memref<128x128xf32, #tpu.memory_space<vmem>>)
      %dma_start3A_54 = arith.constant 0 : i32
      %dma_start3A_55 = arith.constant 0 : i32
      %dma_start3A_56 = tpu.memref_slice %arg7[%dma_start3A_54, %dma_start3A_55] : memref<10240x128xf32, #tpu.memory_space<vmem_shared>> -> memref<10240x128xf32, #tpu.memory_space<vmem_shared>>
      tpu.enqueue_indirect_dma source(%arg12 : memref<128x128xf32, #tpu.memory_space<vmem>>) target(%dma_start3A_56 : memref<10240x128xf32, #tpu.memory_space<vmem_shared>>) offsets(%arg9 : memref<128xi32, #tpu.memory_space<vmem>>) semaphore(%arg16 : memref<!tpu.dma_semaphore, #tpu.memory_space<semaphore_mem>>) {add = true}
      %dma_start3A_57 = arith.constant 0 : i32
      %dma_start3A_58 = arith.constant 0 : i32
      %dma_start3A_59 = tpu.memref_slice %arg2[%dma_start3A_57, %dma_start3A_58] : memref<20480x128xf32, #tpu.memory_space<hbm>> -> memref<20480x128xf32, #tpu.memory_space<hbm>>
      tpu.enqueue_indirect_dma source(%dma_start3A_59 : memref<20480x128xf32, #tpu.memory_space<hbm>>) target(%arg13 : memref<128x128xf32, #tpu.memory_space<vmem>>) offsets(%arg10 : memref<128xi32, #tpu.memory_space<vmem>>) semaphore(%arg15 : memref<!tpu.dma_semaphore, #tpu.memory_space<semaphore_mem>>)
      %dma_wait3A_60 = arith.constant 0 : i32
      %dma_wait3A_61 = arith.constant 0 : i32
      %dma_wait3A_62 = tpu.memref_slice %arg2[%dma_wait3A_60, %dma_wait3A_61] : memref<20480x128xf32, #tpu.memory_space<hbm>> -> memref<20480x128xf32, #tpu.memory_space<hbm>>
      tpu.wait_indirect_dma semaphore(%arg15 : memref<!tpu.dma_semaphore, #tpu.memory_space<semaphore_mem>>) src(%dma_wait3A_62 : memref<20480x128xf32, #tpu.memory_space<hbm>>) dst(%arg13 : memref<128x128xf32, #tpu.memory_space<vmem>>)
      %dma_start3A_63 = arith.constant 0 : i32
      %dma_start3A_64 = arith.constant 0 : i32
      %dma_start3A_65 = tpu.memref_slice %arg7[%dma_start3A_63, %dma_start3A_64] : memref<10240x128xf32, #tpu.memory_space<vmem_shared>> -> memref<10240x128xf32, #tpu.memory_space<vmem_shared>>
      tpu.enqueue_indirect_dma source(%arg13 : memref<128x128xf32, #tpu.memory_space<vmem>>) target(%dma_start3A_65 : memref<10240x128xf32, #tpu.memory_space<vmem_shared>>) offsets(%arg11 : memref<128xi32, #tpu.memory_space<vmem>>) semaphore(%arg17 : memref<!tpu.dma_semaphore, #tpu.memory_space<semaphore_mem>>) {add = true}
    }
    %scan3A_6 = arith.constant 79 : i32
    %dma_wait3A = arith.constant 0 : i32
    %dma_wait3A_7 = arith.constant 0 : i32
    %dma_wait3A_8 = tpu.memref_slice %arg7[%dma_wait3A, %dma_wait3A_7] : memref<10240x128xf32, #tpu.memory_space<vmem_shared>> -> memref<10240x128xf32, #tpu.memory_space<vmem_shared>>
    tpu.wait_indirect_dma semaphore(%arg16 : memref<!tpu.dma_semaphore, #tpu.memory_space<semaphore_mem>>) src(%arg12 : memref<128x128xf32, #tpu.memory_space<vmem>>) dst(%dma_wait3A_8 : memref<10240x128xf32, #tpu.memory_space<vmem_shared>>)
    %dma_wait3A_9 = arith.constant 0 : i32
    %dma_wait3A_10 = arith.constant 0 : i32
    %dma_wait3A_11 = tpu.memref_slice %arg7[%dma_wait3A_9, %dma_wait3A_10] : memref<10240x128xf32, #tpu.memory_space<vmem_shared>> -> memref<10240x128xf32, #tpu.memory_space<vmem_shared>>
    tpu.wait_indirect_dma semaphore(%arg17 : memref<!tpu.dma_semaphore, #tpu.memory_space<semaphore_mem>>) src(%arg13 : memref<128x128xf32, #tpu.memory_space<vmem>>) dst(%dma_wait3A_11 : memref<10240x128xf32, #tpu.memory_space<vmem_shared>>)
    %barrier3A_12 = arith.constant 0 : index
    tpu.barrier barrier_id(%barrier3A_12)
    %mul3A_13 = arith.constant 640 : i32
    %mul3A_14 = arith.muli %arg1, %mul3A_13 : i32
    %mul3A_15 = arith.constant 640 : i32
    %mul3A_16 = arith.muli %arg1, %mul3A_15 : i32
    "tpu.region"() ({
      %run_scoped3A = tpu.sem_alloc : memref<!tpu.dma_semaphore, #tpu.memory_space<semaphore_mem>>
      %dma_start3A = arith.constant 0 : i32
      %dma_start3A_17 = tpu.memref_slice %arg6[%arg0, %mul3A_16, %dma_start3A] : memref<2x10240x128xf32, #tpu.memory_space<hbm>> -> memref<1x640x128xf32, #tpu.memory_space<hbm>>
      %dma_start3A_18 = tpu.memref_squeeze %dma_start3A_17 : memref<1x640x128xf32, #tpu.memory_space<hbm>> -> memref<640x128xf32, #tpu.memory_space<hbm>>
      %dma_start3A_19 = arith.constant 0 : i32
      %dma_start3A_20 = tpu.memref_slice %arg7[%mul3A_14, %dma_start3A_19] : memref<10240x128xf32, #tpu.memory_space<vmem_shared>> -> memref<640x128xf32, #tpu.memory_space<vmem_shared>>
      tpu.enqueue_dma source(%dma_start3A_20 : memref<640x128xf32, #tpu.memory_space<vmem_shared>>) target(%dma_start3A_18 : memref<640x128xf32, #tpu.memory_space<hbm>>) target_semaphore(%run_scoped3A : memref<!tpu.dma_semaphore, #tpu.memory_space<semaphore_mem>>)
      %dma_wait3A_21 = arith.constant 0 : i32
      %dma_wait3A_22 = tpu.memref_slice %arg6[%arg0, %mul3A_16, %dma_wait3A_21] : memref<2x10240x128xf32, #tpu.memory_space<hbm>> -> memref<1x640x128xf32, #tpu.memory_space<hbm>>
      %dma_wait3A_23 = tpu.memref_squeeze %dma_wait3A_22 : memref<1x640x128xf32, #tpu.memory_space<hbm>> -> memref<640x128xf32, #tpu.memory_space<hbm>>
      %dma_wait3A_24 = arith.constant 0 : i32
      %dma_wait3A_25 = tpu.memref_slice %arg7[%mul3A_14, %dma_wait3A_24] : memref<10240x128xf32, #tpu.memory_space<vmem_shared>> -> memref<640x128xf32, #tpu.memory_space<vmem_shared>>
      tpu.wait_dma2 semaphore(%run_scoped3A : memref<!tpu.dma_semaphore, #tpu.memory_space<semaphore_mem>>) src(%dma_wait3A_25 : memref<640x128xf32, #tpu.memory_space<vmem_shared>>) dst(%dma_wait3A_23 : memref<640x128xf32, #tpu.memory_space<hbm>>)
      tpu.yield
    }) : () -> ()
    return
  }
}

#map = affine_map<(d0, d1) -> (0, 0)>
#map1 = affine_map<(d0, d1) -> (0)>
#map2 = affine_map<(d0, d1) -> (0, 0, 0)>
module attributes {stable_mosaic.version = 14 : i64} {
  func.func @_segsum_body(%arg0: i32, %arg1: i32, %arg2: memref<20480x128xf32, #tpu.memory_space<hbm>>, %arg3: memref<323584xi32, #tpu.memory_space<hbm>>, %arg4: memref<323584xi32, #tpu.memory_space<hbm>>, %arg5: memref<640x128xf32, #tpu.memory_space<hbm>>, %arg6: memref<2x10240x128xf32, #tpu.memory_space<hbm>>, %arg7: memref<10240x128xf32, #tpu.memory_space<vmem_shared>>, %arg8: memref<128xi32, #tpu.memory_space<vmem>>, %arg9: memref<128xi32, #tpu.memory_space<vmem>>, %arg10: memref<128xi32, #tpu.memory_space<vmem>>, %arg11: memref<128xi32, #tpu.memory_space<vmem>>, %arg12: memref<128x128xf32, #tpu.memory_space<vmem>>, %arg13: memref<128x128xf32, #tpu.memory_space<vmem>>, %arg14: memref<!tpu.dma_semaphore, #tpu.memory_space<semaphore_mem>>, %arg15: memref<!tpu.dma_semaphore, #tpu.memory_space<semaphore_mem>>, %arg16: memref<!tpu.dma_semaphore, #tpu.memory_space<semaphore_mem>>, %arg17: memref<!tpu.dma_semaphore, #tpu.memory_space<semaphore_mem>>) attributes {dimension_semantics = [#tpu.dimension_semantics<core_parallel>, #tpu.dimension_semantics<subcore_parallel>], iteration_bounds = array<i64: 2, 16>, scalar_prefetch = 0 : i64, scratch_operands = 11 : i64, tpu.core_type = #tpu.core_type<sc_vector_subcore>, window_params = [{transform_indices = #map}, {transform_indices = #map1}, {transform_indices = #map1}, {transform_indices = #map}, {transform_indices = #map2}]} {
    %mul3A = arith.constant 640 : i32
    %mul3A_0 = arith.muli %arg1, %mul3A : i32
    "tpu.region"() ({
      %run_scoped3A = tpu.sem_alloc : memref<!tpu.dma_semaphore, #tpu.memory_space<semaphore_mem>>
      %dma_start3A = arith.constant 0 : i32
      %dma_start3A_17 = tpu.memref_slice %arg7[%mul3A_0, %dma_start3A] : memref<10240x128xf32, #tpu.memory_space<vmem_shared>> -> memref<640x128xf32, #tpu.memory_space<vmem_shared>>
      tpu.enqueue_dma source(%arg5 : memref<640x128xf32, #tpu.memory_space<hbm>>) target(%dma_start3A_17 : memref<640x128xf32, #tpu.memory_space<vmem_shared>>) target_semaphore(%run_scoped3A : memref<!tpu.dma_semaphore, #tpu.memory_space<semaphore_mem>>)
      %dma_wait3A_18 = arith.constant 0 : i32
      %dma_wait3A_19 = tpu.memref_slice %arg7[%mul3A_0, %dma_wait3A_18] : memref<10240x128xf32, #tpu.memory_space<vmem_shared>> -> memref<640x128xf32, #tpu.memory_space<vmem_shared>>
      tpu.wait_dma2 semaphore(%run_scoped3A : memref<!tpu.dma_semaphore, #tpu.memory_space<semaphore_mem>>) src(%arg5 : memref<640x128xf32, #tpu.memory_space<hbm>>) dst(%dma_wait3A_19 : memref<640x128xf32, #tpu.memory_space<vmem_shared>>)
      tpu.yield
    }) : () -> ()
    %barrier3A = arith.constant 0 : index
    tpu.barrier barrier_id(%barrier3A)
    %mul3A_1 = arith.constant 10240 : i32
    %mul3A_2 = arith.muli %arg0, %mul3A_1 : i32
    %scan3A = arith.constant 0 : i32
    %scan3A_3 = arith.constant 79 : i32
    %scan3A_4 = arith.addi %scan3A, %scan3A_3 : i32
    %scan3A_5 = arith.constant 1 : i32
    scf.for %scan3A_17 = %scan3A to %scan3A_4 step %scan3A_5  : i32 {
      %mul3A_18 = arith.constant 1 : i32
      %mul3A_19 = arith.muli %scan3A_17, %mul3A_18 : i32
      %add3A = arith.constant 0 : i32
      %add3A_20 = arith.addi %add3A, %mul3A_19 : i32
      %mul3A_21 = arith.constant 158 : i32
      %mul3A_22 = arith.muli %arg1, %mul3A_21 : i32
      %mul3A_23 = arith.constant 2 : i32
      %mul3A_24 = arith.muli %mul3A_23, %add3A_20 : i32
      %add3A_25 = arith.addi %mul3A_22, %mul3A_24 : i32
      %mul3A_26 = arith.constant 128 : i32
      %mul3A_27 = arith.muli %add3A_25, %mul3A_26 : i32
      %gt3A = arith.constant 0 : i32
      %gt3A_28 = arith.cmpi sgt, %add3A_20, %gt3A : i32
      %convert_element_type3A = arith.extui %gt3A_28 : i1 to i32
      %cond3A = arith.constant 0 : i32
      %cond3A_29 = arith.cmpi ne, %convert_element_type3A, %cond3A : i32
      scf.if %cond3A_29 {
        %dma_wait3A_66 = arith.constant 0 : i32
        %dma_wait3A_67 = arith.constant 0 : i32
        %dma_wait3A_68 = tpu.memref_slice %arg7[%dma_wait3A_66, %dma_wait3A_67] : memref<10240x128xf32, #tpu.memory_space<vmem_shared>> -> memref<10240x128xf32, #tpu.memory_space<vmem_shared>>
        tpu.wait_indirect_dma semaphore(%arg16 : memref<!tpu.dma_semaphore, #tpu.memory_space<semaphore_mem>>) src(%arg12 : memref<128x128xf32, #tpu.memory_space<vmem>>) dst(%dma_wait3A_68 : memref<10240x128xf32, #tpu.memory_space<vmem_shared>>)
      } else {
      }
      "tpu.region"() ({
        %run_scoped3A = tpu.sem_alloc : memref<!tpu.dma_semaphore, #tpu.memory_space<semaphore_mem>>
        %dma_start3A_66 = tpu.memref_slice %arg3[%mul3A_27] : memref<323584xi32, #tpu.memory_space<hbm>> -> memref<128xi32, #tpu.memory_space<hbm>>
        %dma_start3A_67 = tpu.memref_slice %arg3[%mul3A_27] : memref<323584xi32, #tpu.memory_space<hbm>> -> memref<128xi32, #tpu.memory_space<hbm>>
        tpu.enqueue_dma source(%dma_start3A_67 : memref<128xi32, #tpu.memory_space<hbm>>) target(%arg8 : memref<128xi32, #tpu.memory_space<vmem>>) target_semaphore(%run_scoped3A : memref<!tpu.dma_semaphore, #tpu.memory_space<semaphore_mem>>)
        %dma_wait3A_68 = tpu.memref_slice %arg3[%mul3A_27] : memref<323584xi32, #tpu.memory_space<hbm>> -> memref<128xi32, #tpu.memory_space<hbm>>
        %dma_wait3A_69 = tpu.memref_slice %arg3[%mul3A_27] : memref<323584xi32, #tpu.memory_space<hbm>> -> memref<128xi32, #tpu.memory_space<hbm>>
        tpu.wait_dma2 semaphore(%run_scoped3A : memref<!tpu.dma_semaphore, #tpu.memory_space<semaphore_mem>>) src(%dma_wait3A_69 : memref<128xi32, #tpu.memory_space<hbm>>) dst(%arg8 : memref<128xi32, #tpu.memory_space<vmem>>)
        tpu.yield
      }) : () -> ()
      "tpu.region"() ({
        %run_scoped3A = tpu.sem_alloc : memref<!tpu.dma_semaphore, #tpu.memory_space<semaphore_mem>>
        %dma_start3A_66 = tpu.memref_slice %arg4[%mul3A_27] : memref<323584xi32, #tpu.memory_space<hbm>> -> memref<128xi32, #tpu.memory_space<hbm>>
        %dma_start3A_67 = tpu.memref_slice %arg4[%mul3A_27] : memref<323584xi32, #tpu.memory_space<hbm>> -> memref<128xi32, #tpu.memory_space<hbm>>
        tpu.enqueue_dma source(%dma_start3A_67 : memref<128xi32, #tpu.memory_space<hbm>>) target(%arg9 : memref<128xi32, #tpu.memory_space<vmem>>) target_semaphore(%run_scoped3A : memref<!tpu.dma_semaphore, #tpu.memory_space<semaphore_mem>>)
        %dma_wait3A_68 = tpu.memref_slice %arg4[%mul3A_27] : memref<323584xi32, #tpu.memory_space<hbm>> -> memref<128xi32, #tpu.memory_space<hbm>>
        %dma_wait3A_69 = tpu.memref_slice %arg4[%mul3A_27] : memref<323584xi32, #tpu.memory_space<hbm>> -> memref<128xi32, #tpu.memory_space<hbm>>
        tpu.wait_dma2 semaphore(%run_scoped3A : memref<!tpu.dma_semaphore, #tpu.memory_space<semaphore_mem>>) src(%dma_wait3A_69 : memref<128xi32, #tpu.memory_space<hbm>>) dst(%arg9 : memref<128xi32, #tpu.memory_space<vmem>>)
        tpu.yield
      }) : () -> ()
      %scan3A_30 = arith.constant 0 : i32
      %scan3A_31 = arith.constant 8 : i32
      %scan3A_32 = arith.addi %scan3A_30, %scan3A_31 : i32
      %scan3A_33 = arith.constant 1 : i32
      scf.for %scan3A_66 = %scan3A_30 to %scan3A_32 step %scan3A_33  : i32 {
        %mul3A_67 = arith.constant 1 : i32
        %mul3A_68 = arith.muli %scan3A_66, %mul3A_67 : i32
        %add3A_69 = arith.constant 0 : i32
        %add3A_70 = arith.addi %add3A_69, %mul3A_68 : i32
        %mul3A_71 = arith.constant 16 : i32
        %mul3A_72 = arith.muli %add3A_70, %mul3A_71 : i32
        %get3A = arith.index_cast %mul3A_72 : i32 to index
        %get3A_73 = tpu.vector_load %arg8[%get3A] {strides = array<i32>} : memref<128xi32, #tpu.memory_space<vmem>>, vector<16xi32>,
        %get3A_74 = vector.shape_cast %get3A_73 : vector<16xi32> to vector<16xi32>
        %add3A_75 = vector.broadcast %mul3A_2 : i32 to vector<16xi32>
        %add3A_76 = arith.addi %get3A_74, %add3A_75 : vector<16xi32>
        %swap3A = arith.index_cast %mul3A_72 : i32 to index
        %swap3A_77 = tpu.vector_load %arg8[%swap3A] {strides = array<i32>} : memref<128xi32, #tpu.memory_space<vmem>>, vector<16xi32>,
        %swap3A_78 = vector.shape_cast %swap3A_77 : vector<16xi32> to vector<16xi32>
        %swap3A_79 = vector.shape_cast %add3A_76 : vector<16xi32> to vector<16xi32>
        tpu.vector_store %arg8[%swap3A], %swap3A_79 {strides = array<i32>} : memref<128xi32, #tpu.memory_space<vmem>>, vector<16xi32>,
      }
      %scan3A_34 = arith.constant 8 : i32
      %dma_start3A = arith.constant 0 : i32
      %dma_start3A_35 = arith.constant 0 : i32
      %dma_start3A_36 = tpu.memref_slice %arg2[%dma_start3A, %dma_start3A_35] : memref<20480x128xf32, #tpu.memory_space<hbm>> -> memref<20480x128xf32, #tpu.memory_space<hbm>>
      tpu.enqueue_indirect_dma source(%dma_start3A_36 : memref<20480x128xf32, #tpu.memory_space<hbm>>) target(%arg12 : memref<128x128xf32, #tpu.memory_space<vmem>>) offsets(%arg8 : memref<128xi32, #tpu.memory_space<vmem>>) semaphore(%arg14 : memref<!tpu.dma_semaphore, #tpu.memory_space<semaphore_mem>>)
      %gt3A_37 = arith.constant 0 : i32
      %gt3A_38 = arith.cmpi sgt, %add3A_20, %gt3A_37 : i32
      %convert_element_type3A_39 = arith.extui %gt3A_38 : i1 to i32
      %cond3A_40 = arith.constant 0 : i32
      %cond3A_41 = arith.cmpi ne, %convert_element_type3A_39, %cond3A_40 : i32
      scf.if %cond3A_41 {
        %dma_wait3A_66 = arith.constant 0 : i32
        %dma_wait3A_67 = arith.constant 0 : i32
        %dma_wait3A_68 = tpu.memref_slice %arg7[%dma_wait3A_66, %dma_wait3A_67] : memref<10240x128xf32, #tpu.memory_space<vmem_shared>> -> memref<10240x128xf32, #tpu.memory_space<vmem_shared>>
        tpu.wait_indirect_dma semaphore(%arg17 : memref<!tpu.dma_semaphore, #tpu.memory_space<semaphore_mem>>) src(%arg13 : memref<128x128xf32, #tpu.memory_space<vmem>>) dst(%dma_wait3A_68 : memref<10240x128xf32, #tpu.memory_space<vmem_shared>>)
      } else {
      }
      %add3A_42 = arith.constant 128 : i32
      %add3A_43 = arith.addi %mul3A_27, %add3A_42 : i32
      "tpu.region"() ({
        %run_scoped3A = tpu.sem_alloc : memref<!tpu.dma_semaphore, #tpu.memory_space<semaphore_mem>>
        %dma_start3A_66 = tpu.memref_slice %arg3[%add3A_43] : memref<323584xi32, #tpu.memory_space<hbm>> -> memref<128xi32, #tpu.memory_space<hbm>>
        %dma_start3A_67 = tpu.memref_slice %arg3[%add3A_43] : memref<323584xi32, #tpu.memory_space<hbm>> -> memref<128xi32, #tpu.memory_space<hbm>>
        tpu.enqueue_dma source(%dma_start3A_67 : memref<128xi32, #tpu.memory_space<hbm>>) target(%arg10 : memref<128xi32, #tpu.memory_space<vmem>>) target_semaphore(%run_scoped3A : memref<!tpu.dma_semaphore, #tpu.memory_space<semaphore_mem>>)
        %dma_wait3A_68 = tpu.memref_slice %arg3[%add3A_43] : memref<323584xi32, #tpu.memory_space<hbm>> -> memref<128xi32, #tpu.memory_space<hbm>>
        %dma_wait3A_69 = tpu.memref_slice %arg3[%add3A_43] : memref<323584xi32, #tpu.memory_space<hbm>> -> memref<128xi32, #tpu.memory_space<hbm>>
        tpu.wait_dma2 semaphore(%run_scoped3A : memref<!tpu.dma_semaphore, #tpu.memory_space<semaphore_mem>>) src(%dma_wait3A_69 : memref<128xi32, #tpu.memory_space<hbm>>) dst(%arg10 : memref<128xi32, #tpu.memory_space<vmem>>)
        tpu.yield
      }) : () -> ()
      %add3A_44 = arith.constant 128 : i32
      %add3A_45 = arith.addi %mul3A_27, %add3A_44 : i32
      "tpu.region"() ({
        %run_scoped3A = tpu.sem_alloc : memref<!tpu.dma_semaphore, #tpu.memory_space<semaphore_mem>>
        %dma_start3A_66 = tpu.memref_slice %arg4[%add3A_45] : memref<323584xi32, #tpu.memory_space<hbm>> -> memref<128xi32, #tpu.memory_space<hbm>>
        %dma_start3A_67 = tpu.memref_slice %arg4[%add3A_45] : memref<323584xi32, #tpu.memory_space<hbm>> -> memref<128xi32, #tpu.memory_space<hbm>>
        tpu.enqueue_dma source(%dma_start3A_67 : memref<128xi32, #tpu.memory_space<hbm>>) target(%arg11 : memref<128xi32, #tpu.memory_space<vmem>>) target_semaphore(%run_scoped3A : memref<!tpu.dma_semaphore, #tpu.memory_space<semaphore_mem>>)
        %dma_wait3A_68 = tpu.memref_slice %arg4[%add3A_45] : memref<323584xi32, #tpu.memory_space<hbm>> -> memref<128xi32, #tpu.memory_space<hbm>>
        %dma_wait3A_69 = tpu.memref_slice %arg4[%add3A_45] : memref<323584xi32, #tpu.memory_space<hbm>> -> memref<128xi32, #tpu.memory_space<hbm>>
        tpu.wait_dma2 semaphore(%run_scoped3A : memref<!tpu.dma_semaphore, #tpu.memory_space<semaphore_mem>>) src(%dma_wait3A_69 : memref<128xi32, #tpu.memory_space<hbm>>) dst(%arg11 : memref<128xi32, #tpu.memory_space<vmem>>)
        tpu.yield
      }) : () -> ()
      %scan3A_46 = arith.constant 0 : i32
      %scan3A_47 = arith.constant 8 : i32
      %scan3A_48 = arith.addi %scan3A_46, %scan3A_47 : i32
      %scan3A_49 = arith.constant 1 : i32
      scf.for %scan3A_66 = %scan3A_46 to %scan3A_48 step %scan3A_49  : i32 {
        %mul3A_67 = arith.constant 1 : i32
        %mul3A_68 = arith.muli %scan3A_66, %mul3A_67 : i32
        %add3A_69 = arith.constant 0 : i32
        %add3A_70 = arith.addi %add3A_69, %mul3A_68 : i32
        %mul3A_71 = arith.constant 16 : i32
        %mul3A_72 = arith.muli %add3A_70, %mul3A_71 : i32
        %get3A = arith.index_cast %mul3A_72 : i32 to index
        %get3A_73 = tpu.vector_load %arg10[%get3A] {strides = array<i32>} : memref<128xi32, #tpu.memory_space<vmem>>, vector<16xi32>,
        %get3A_74 = vector.shape_cast %get3A_73 : vector<16xi32> to vector<16xi32>
        %add3A_75 = vector.broadcast %mul3A_2 : i32 to vector<16xi32>
        %add3A_76 = arith.addi %get3A_74, %add3A_75 : vector<16xi32>
        %swap3A = arith.index_cast %mul3A_72 : i32 to index
        %swap3A_77 = tpu.vector_load %arg10[%swap3A] {strides = array<i32>} : memref<128xi32, #tpu.memory_space<vmem>>, vector<16xi32>,
        %swap3A_78 = vector.shape_cast %swap3A_77 : vector<16xi32> to vector<16xi32>
        %swap3A_79 = vector.shape_cast %add3A_76 : vector<16xi32> to vector<16xi32>
        tpu.vector_store %arg10[%swap3A], %swap3A_79 {strides = array<i32>} : memref<128xi32, #tpu.memory_space<vmem>>, vector<16xi32>,
      }
      %scan3A_50 = arith.constant 8 : i32
      %dma_wait3A_51 = arith.constant 0 : i32
      %dma_wait3A_52 = arith.constant 0 : i32
      %dma_wait3A_53 = tpu.memref_slice %arg2[%dma_wait3A_51, %dma_wait3A_52] : memref<20480x128xf32, #tpu.memory_space<hbm>> -> memref<20480x128xf32, #tpu.memory_space<hbm>>
      tpu.wait_indirect_dma semaphore(%arg14 : memref<!tpu.dma_semaphore, #tpu.memory_space<semaphore_mem>>) src(%dma_wait3A_53 : memref<20480x128xf32, #tpu.memory_space<hbm>>) dst(%arg12 : memref<128x128xf32, #tpu.memory_space<vmem>>)
      %dma_start3A_54 = arith.constant 0 : i32
      %dma_start3A_55 = arith.constant 0 : i32
      %dma_start3A_56 = tpu.memref_slice %arg7[%dma_start3A_54, %dma_start3A_55] : memref<10240x128xf32, #tpu.memory_space<vmem_shared>> -> memref<10240x128xf32, #tpu.memory_space<vmem_shared>>
      tpu.enqueue_indirect_dma source(%arg12 : memref<128x128xf32, #tpu.memory_space<vmem>>) target(%dma_start3A_56 : memref<10240x128xf32, #tpu.memory_space<vmem_shared>>) offsets(%arg9 : memref<128xi32, #tpu.memory_space<vmem>>) semaphore(%arg16 : memref<!tpu.dma_semaphore, #tpu.memory_space<semaphore_mem>>) {add = true}
      %dma_start3A_57 = arith.constant 0 : i32
      %dma_start3A_58 = arith.constant 0 : i32
      %dma_start3A_59 = tpu.memref_slice %arg2[%dma_start3A_57, %dma_start3A_58] : memref<20480x128xf32, #tpu.memory_space<hbm>> -> memref<20480x128xf32, #tpu.memory_space<hbm>>
      tpu.enqueue_indirect_dma source(%dma_start3A_59 : memref<20480x128xf32, #tpu.memory_space<hbm>>) target(%arg13 : memref<128x128xf32, #tpu.memory_space<vmem>>) offsets(%arg10 : memref<128xi32, #tpu.memory_space<vmem>>) semaphore(%arg15 : memref<!tpu.dma_semaphore, #tpu.memory_space<semaphore_mem>>)
      %dma_wait3A_60 = arith.constant 0 : i32
      %dma_wait3A_61 = arith.constant 0 : i32
      %dma_wait3A_62 = tpu.memref_slice %arg2[%dma_wait3A_60, %dma_wait3A_61] : memref<20480x128xf32, #tpu.memory_space<hbm>> -> memref<20480x128xf32, #tpu.memory_space<hbm>>
      tpu.wait_indirect_dma semaphore(%arg15 : memref<!tpu.dma_semaphore, #tpu.memory_space<semaphore_mem>>) src(%dma_wait3A_62 : memref<20480x128xf32, #tpu.memory_space<hbm>>) dst(%arg13 : memref<128x128xf32, #tpu.memory_space<vmem>>)
      %dma_start3A_63 = arith.constant 0 : i32
      %dma_start3A_64 = arith.constant 0 : i32
      %dma_start3A_65 = tpu.memref_slice %arg7[%dma_start3A_63, %dma_start3A_64] : memref<10240x128xf32, #tpu.memory_space<vmem_shared>> -> memref<10240x128xf32, #tpu.memory_space<vmem_shared>>
      tpu.enqueue_indirect_dma source(%arg13 : memref<128x128xf32, #tpu.memory_space<vmem>>) target(%dma_start3A_65 : memref<10240x128xf32, #tpu.memory_space<vmem_shared>>) offsets(%arg11 : memref<128xi32, #tpu.memory_space<vmem>>) semaphore(%arg17 : memref<!tpu.dma_semaphore, #tpu.memory_space<semaphore_mem>>) {add = true}
    }
    %scan3A_6 = arith.constant 79 : i32
    %dma_wait3A = arith.constant 0 : i32
    %dma_wait3A_7 = arith.constant 0 : i32
    %dma_wait3A_8 = tpu.memref_slice %arg7[%dma_wait3A, %dma_wait3A_7] : memref<10240x128xf32, #tpu.memory_space<vmem_shared>> -> memref<10240x128xf32, #tpu.memory_space<vmem_shared>>
    tpu.wait_indirect_dma semaphore(%arg16 : memref<!tpu.dma_semaphore, #tpu.memory_space<semaphore_mem>>) src(%arg12 : memref<128x128xf32, #tpu.memory_space<vmem>>) dst(%dma_wait3A_8 : memref<10240x128xf32, #tpu.memory_space<vmem_shared>>)
    %dma_wait3A_9 = arith.constant 0 : i32
    %dma_wait3A_10 = arith.constant 0 : i32
    %dma_wait3A_11 = tpu.memref_slice %arg7[%dma_wait3A_9, %dma_wait3A_10] : memref<10240x128xf32, #tpu.memory_space<vmem_shared>> -> memref<10240x128xf32, #tpu.memory_space<vmem_shared>>
    tpu.wait_indirect_dma semaphore(%arg17 : memref<!tpu.dma_semaphore, #tpu.memory_space<semaphore_mem>>) src(%arg13 : memref<128x128xf32, #tpu.memory_space<vmem>>) dst(%dma_wait3A_11 : memref<10240x128xf32, #tpu.memory_space<vmem_shared>>)
    %barrier3A_12 = arith.constant 0 : index
    tpu.barrier barrier_id(%barrier3A_12)
    %mul3A_13 = arith.constant 640 : i32
    %mul3A_14 = arith.muli %arg1, %mul3A_13 : i32
    %mul3A_15 = arith.constant 640 : i32
    %mul3A_16 = arith.muli %arg1, %mul3A_15 : i32
    "tpu.region"() ({
      %run_scoped3A = tpu.sem_alloc : memref<!tpu.dma_semaphore, #tpu.memory_space<semaphore_mem>>
      %dma_start3A = arith.constant 0 : i32
      %dma_start3A_17 = tpu.memref_slice %arg6[%arg0, %mul3A_16, %dma_start3A] : memref<2x10240x128xf32, #tpu.memory_space<hbm>> -> memref<1x640x128xf32, #tpu.memory_space<hbm>>
      %dma_start3A_18 = tpu.memref_squeeze %dma_start3A_17 : memref<1x640x128xf32, #tpu.memory_space<hbm>> -> memref<640x128xf32, #tpu.memory_space<hbm>>
      %dma_start3A_19 = arith.constant 0 : i32
      %dma_start3A_20 = tpu.memref_slice %arg7[%mul3A_14, %dma_start3A_19] : memref<10240x128xf32, #tpu.memory_space<vmem_shared>> -> memref<640x128xf32, #tpu.memory_space<vmem_shared>>
      tpu.enqueue_dma source(%dma_start3A_20 : memref<640x128xf32, #tpu.memory_space<vmem_shared>>) target(%dma_start3A_18 : memref<640x128xf32, #tpu.memory_space<hbm>>) target_semaphore(%run_scoped3A : memref<!tpu.dma_semaphore, #tpu.memory_space<semaphore_mem>>)
      %dma_wait3A_21 = arith.constant 0 : i32
      %dma_wait3A_22 = tpu.memref_slice %arg6[%arg0, %mul3A_16, %dma_wait3A_21] : memref<2x10240x128xf32, #tpu.memory_space<hbm>> -> memref<1x640x128xf32, #tpu.memory_space<hbm>>
      %dma_wait3A_23 = tpu.memref_squeeze %dma_wait3A_22 : memref<1x640x128xf32, #tpu.memory_space<hbm>> -> memref<640x128xf32, #tpu.memory_space<hbm>>
      %dma_wait3A_24 = arith.constant 0 : i32
      %dma_wait3A_25 = tpu.memref_slice %arg7[%mul3A_14, %dma_wait3A_24] : memref<10240x128xf32, #tpu.memory_space<vmem_shared>> -> memref<640x128xf32, #tpu.memory_space<vmem_shared>>
      tpu.wait_dma2 semaphore(%run_scoped3A : memref<!tpu.dma_semaphore, #tpu.memory_space<semaphore_mem>>) src(%dma_wait3A_25 : memref<640x128xf32, #tpu.memory_space<vmem_shared>>) dst(%dma_wait3A_23 : memref<640x128xf32, #tpu.memory_space<hbm>>)
      tpu.yield
    }) : () -> ()
    return
  }
}

module attributes {stable_mosaic.version = 14 : i64} {
  func.func @_tables1_body(%arg0: i32, %arg1: memref<512x128xf32, #tpu.memory_space<vmem>>, %arg2: memref<128x128xf32, #tpu.memory_space<vmem>>, %arg3: memref<1x128xf32, #tpu.memory_space<vmem>>, %arg4: memref<1x128xf32, #tpu.memory_space<vmem>>, %arg5: memref<512x128xf32, #tpu.memory_space<vmem>>, %arg6: memref<512x128xf32, #tpu.memory_space<vmem>>) attributes {dimension_semantics = [#tpu.dimension_semantics<arbitrary>], iteration_bounds = array<i64: 20>, scalar_prefetch = 0 : i64, scratch_operands = 0 : i64, tpu.core_type = #tpu.core_type<tc>, window_params = [{transform_indices = @transform_0, window_bounds = array<i64: 512, 128>}, {pipeline_mode = #tpu.pipeline_mode<synchronous>, transform_indices = @transform_1, window_bounds = array<i64: 128, 128>}, {pipeline_mode = #tpu.pipeline_mode<synchronous>, transform_indices = @transform_2, window_bounds = array<i64: 1, 128>}, {pipeline_mode = #tpu.pipeline_mode<synchronous>, transform_indices = @transform_3, window_bounds = array<i64: 1, 128>}, {transform_indices = @transform_4, window_bounds = array<i64: 512, 128>}, {transform_indices = @transform_5, window_bounds = array<i64: 512, 128>}]} {
    %get3A = arith.constant 0 : index
    %get3A_0 = arith.constant 0 : index
    %get3A_1 = vector.load %arg1[%get3A, %get3A_0] : memref<512x128xf32, #tpu.memory_space<vmem>>, vector<512x128xf32>
    %get3A_2 = arith.constant 0 : index
    %get3A_3 = arith.constant 0 : index
    %get3A_4 = vector.load %arg2[%get3A_2, %get3A_3] : memref<128x128xf32, #tpu.memory_space<vmem>>, vector<128x128xf32>
    %dot_general3A = arith.constant dense<0.000000e+00> : vector<512x128xf32>
    %dot_general3A_5 = tpu.matmul %get3A_1, %get3A_4, %dot_general3A {dimension_numbers = #tpu.dot_dimension_numbers<[1], [0], [0], [1], [0, 0, 1, 1], [], []>, transpose_lhs_hint = false} : vector<512x128xf32>, vector<128x128xf32>, vector<512x128xf32> -> vector<512x128xf32>
    %get3A_6 = arith.constant 0 : index
    %get3A_7 = arith.constant 0 : index
    %get3A_8 = vector.load %arg3[%get3A_6, %get3A_7] : memref<1x128xf32, #tpu.memory_space<vmem>>, vector<1x128xf32>
    %add3A = vector.broadcast %get3A_8 : vector<1x128xf32> to vector<512x128xf32>
    %add3A_9 = arith.addf %dot_general3A_5, %add3A : vector<512x128xf32>
    %max3A = arith.constant 0.000000e+00 : f32
    %max3A_10 = vector.broadcast %max3A : f32 to vector<512x128xf32>
    %max3A_11 = arith.maximumf %add3A_9, %max3A_10 : vector<512x128xf32>
    %get3A_12 = arith.constant 0 : index
    %get3A_13 = arith.constant 0 : index
    %get3A_14 = vector.load %arg4[%get3A_12, %get3A_13] : memref<1x128xf32, #tpu.memory_space<vmem>>, vector<1x128xf32>
    %mul3A = vector.broadcast %get3A_14 : vector<1x128xf32> to vector<512x128xf32>
    %mul3A_15 = arith.mulf %max3A_11, %mul3A : vector<512x128xf32>
    %exp3A = math.exp %mul3A_15 : vector<512x128xf32>
    %swap3A = arith.constant 0 : index
    %swap3A_16 = arith.constant 0 : index
    %swap3A_17 = vector.load %arg5[%swap3A, %swap3A_16] : memref<512x128xf32, #tpu.memory_space<vmem>>, vector<512x128xf32>
    tpu.vector_store %arg5[%swap3A, %swap3A_16], %exp3A {strides = array<i32>} : memref<512x128xf32, #tpu.memory_space<vmem>>, vector<512x128xf32>,
    %mul3A_18 = arith.mulf %max3A_11, %exp3A : vector<512x128xf32>
    %swap3A_19 = arith.constant 0 : index
    %swap3A_20 = arith.constant 0 : index
    %swap3A_21 = vector.load %arg6[%swap3A_19, %swap3A_20] : memref<512x128xf32, #tpu.memory_space<vmem>>, vector<512x128xf32>
    tpu.vector_store %arg6[%swap3A_19, %swap3A_20], %mul3A_18 {strides = array<i32>} : memref<512x128xf32, #tpu.memory_space<vmem>>, vector<512x128xf32>,
    return
  }
  func.func @transform_0(%arg0: i32) -> (i32, i32) {
    %c0_i32 = arith.constant 0 : i32
    %c0_i32_0 = arith.constant 0 : i32
    return %arg0, %c0_i32 : i32, i32
  }
  func.func @transform_1(%arg0: i32) -> (i32, i32) {
    %c0_i32 = arith.constant 0 : i32
    %c0_i32_0 = arith.constant 0 : i32
    %c0_i32_1 = arith.constant 0 : i32
    return %c0_i32, %c0_i32_0 : i32, i32
  }
  func.func @transform_2(%arg0: i32) -> (i32, i32) {
    %c0_i32 = arith.constant 0 : i32
    %c0_i32_0 = arith.constant 0 : i32
    %c0_i32_1 = arith.constant 0 : i32
    return %c0_i32, %c0_i32_0 : i32, i32
  }
  func.func @transform_3(%arg0: i32) -> (i32, i32) {
    %c0_i32 = arith.constant 0 : i32
    %c0_i32_0 = arith.constant 0 : i32
    %c0_i32_1 = arith.constant 0 : i32
    return %c0_i32, %c0_i32_0 : i32, i32
  }
  func.func @transform_4(%arg0: i32) -> (i32, i32) {
    %c0_i32 = arith.constant 0 : i32
    %c0_i32_0 = arith.constant 0 : i32
    return %arg0, %c0_i32 : i32, i32
  }
  func.func @transform_5(%arg0: i32) -> (i32, i32) {
    %c0_i32 = arith.constant 0 : i32
    %c0_i32_0 = arith.constant 0 : i32
    return %arg0, %c0_i32 : i32, i32
  }
}

module attributes {stable_mosaic.version = 14 : i64} {
  func.func @_mid_body(%arg0: i32, %arg1: memref<512x128xf32, #tpu.memory_space<vmem>>, %arg2: memref<512x128xf32, #tpu.memory_space<vmem>>, %arg3: memref<512x128xf32, #tpu.memory_space<vmem>>, %arg4: memref<128x256xf32, #tpu.memory_space<vmem>>, %arg5: memref<1x256xf32, #tpu.memory_space<vmem>>, %arg6: memref<128x256xf32, #tpu.memory_space<vmem>>, %arg7: memref<256x256xf32, #tpu.memory_space<vmem>>, %arg8: memref<1x256xf32, #tpu.memory_space<vmem>>, %arg9: memref<1x256xf32, #tpu.memory_space<vmem>>, %arg10: memref<512x256xf32, #tpu.memory_space<vmem>>, %arg11: memref<512x128xf32, #tpu.memory_space<vmem>>, %arg12: memref<512x128xf32, #tpu.memory_space<vmem>>, %arg13: memref<512x128xf32, #tpu.memory_space<vmem>>, %arg14: memref<512x128xf32, #tpu.memory_space<vmem>>) attributes {dimension_semantics = [#tpu.dimension_semantics<arbitrary>], iteration_bounds = array<i64: 20>, scalar_prefetch = 0 : i64, scratch_operands = 0 : i64, tpu.core_type = #tpu.core_type<tc>, window_params = [{transform_indices = @transform_0, window_bounds = array<i64: 512, 128>}, {transform_indices = @transform_1, window_bounds = array<i64: 512, 128>}, {transform_indices = @transform_2, window_bounds = array<i64: 512, 128>}, {pipeline_mode = #tpu.pipeline_mode<synchronous>, transform_indices = @transform_3, window_bounds = array<i64: 128, 256>}, {pipeline_mode = #tpu.pipeline_mode<synchronous>, transform_indices = @transform_4, window_bounds = array<i64: 1, 256>}, {pipeline_mode = #tpu.pipeline_mode<synchronous>, transform_indices = @transform_5, window_bounds = array<i64: 128, 256>}, {pipeline_mode = #tpu.pipeline_mode<synchronous>, transform_indices = @transform_6, window_bounds = array<i64: 256, 256>}, {pipeline_mode = #tpu.pipeline_mode<synchronous>, transform_indices = @transform_7, window_bounds = array<i64: 1, 256>}, {pipeline_mode = #tpu.pipeline_mode<synchronous>, transform_indices = @transform_8, window_bounds = array<i64: 1, 256>}, {transform_indices = @transform_9, window_bounds = array<i64: 512, 256>}, {transform_indices = @transform_10, window_bounds = array<i64: 512, 128>}, {transform_indices = @transform_11, window_bounds = array<i64: 512, 128>}, {transform_indices = @transform_12, window_bounds = array<i64: 512, 128>}, {transform_indices = @transform_13, window_bounds = array<i64: 512, 128>}]} {
    %get3A = arith.constant 0 : index
    %get3A_0 = arith.constant 0 : index
    %get3A_1 = vector.load %arg2[%get3A, %get3A_0] : memref<512x128xf32, #tpu.memory_space<vmem>>, vector<512x128xf32>
    %get3A_2 = arith.constant 0 : index
    %get3A_3 = arith.constant 0 : index
    %get3A_4 = vector.load %arg1[%get3A_2, %get3A_3] : memref<512x128xf32, #tpu.memory_space<vmem>>, vector<512x128xf32>
    %add3A = arith.constant 1.000000e-16 : f32
    %add3A_5 = vector.broadcast %add3A : f32 to vector<512x128xf32>
    %add3A_6 = arith.addf %get3A_4, %add3A_5 : vector<512x128xf32>
    %div3A = arith.divf %get3A_1, %add3A_6 : vector<512x128xf32>
    %get3A_7 = arith.constant 0 : index
    %get3A_8 = arith.constant 0 : index
    %get3A_9 = vector.load %arg4[%get3A_7, %get3A_8] : memref<128x256xf32, #tpu.memory_space<vmem>>, vector<128x256xf32>
    %dot_general3A = arith.constant dense<0.000000e+00> : vector<512x256xf32>
    %dot_general3A_10 = tpu.matmul %div3A, %get3A_9, %dot_general3A {dimension_numbers = #tpu.dot_dimension_numbers<[1], [0], [0], [1], [0, 0, 1, 1], [], []>, transpose_lhs_hint = false} : vector<512x128xf32>, vector<128x256xf32>, vector<512x256xf32> -> vector<512x256xf32>
    %get3A_11 = arith.constant 0 : index
    %get3A_12 = arith.constant 0 : index
    %get3A_13 = vector.load %arg5[%get3A_11, %get3A_12] : memref<1x256xf32, #tpu.memory_space<vmem>>, vector<1x256xf32>
    %add3A_14 = vector.broadcast %get3A_13 : vector<1x256xf32> to vector<512x256xf32>
    %add3A_15 = arith.addf %dot_general3A_10, %add3A_14 : vector<512x256xf32>
    %get3A_16 = arith.constant 0 : index
    %get3A_17 = arith.constant 0 : index
    %get3A_18 = vector.load %arg3[%get3A_16, %get3A_17] : memref<512x128xf32, #tpu.memory_space<vmem>>, vector<512x128xf32>
    %get3A_19 = arith.constant 0 : index
    %get3A_20 = arith.constant 0 : index
    %get3A_21 = vector.load %arg6[%get3A_19, %get3A_20] : memref<128x256xf32, #tpu.memory_space<vmem>>, vector<128x256xf32>
    %dot_general3A_22 = arith.constant dense<0.000000e+00> : vector<512x256xf32>
    %dot_general3A_23 = tpu.matmul %get3A_18, %get3A_21, %dot_general3A_22 {dimension_numbers = #tpu.dot_dimension_numbers<[1], [0], [0], [1], [0, 0, 1, 1], [], []>, transpose_lhs_hint = false} : vector<512x128xf32>, vector<128x256xf32>, vector<512x256xf32> -> vector<512x256xf32>
    %add3A_24 = arith.addf %add3A_15, %dot_general3A_23 : vector<512x256xf32>
    %mul3A = arith.mulf %add3A_24, %add3A_24 : vector<512x256xf32>
    %reduce_sum3A = arith.constant dense<0.000000e+00> : vector<512xf32>
    %reduce_sum3A_25 = vector.multi_reduction <add>, %mul3A, %reduce_sum3A [1] : vector<512x256xf32> to vector<512xf32>
    %broadcast_in_dim3A = vector.shape_cast %reduce_sum3A_25 : vector<512xf32> to vector<512x1xf32>
    %sqrt3A = math.sqrt %broadcast_in_dim3A : vector<512x1xf32>
    %max3A = arith.constant 9.99999996E-13 : f32
    %max3A_26 = vector.broadcast %max3A : f32 to vector<512x1xf32>
    %max3A_27 = arith.maximumf %sqrt3A, %max3A_26 : vector<512x1xf32>
    %div3A_28 = vector.broadcast %max3A_27 : vector<512x1xf32> to vector<512x256xf32>
    %div3A_29 = arith.divf %add3A_24, %div3A_28 : vector<512x256xf32>
    %max3A_30 = arith.constant 0.000000e+00 : f32
    %max3A_31 = vector.broadcast %max3A_30 : f32 to vector<512x256xf32>
    %max3A_32 = arith.maximumf %div3A_29, %max3A_31 : vector<512x256xf32>
    %swap3A = arith.constant 0 : index
    %swap3A_33 = arith.constant 0 : index
    %swap3A_34 = vector.load %arg10[%swap3A, %swap3A_33] : memref<512x256xf32, #tpu.memory_space<vmem>>, vector<512x256xf32>
    tpu.vector_store %arg10[%swap3A, %swap3A_33], %max3A_32 {strides = array<i32>} : memref<512x256xf32, #tpu.memory_space<vmem>>, vector<512x256xf32>,
    %get3A_35 = arith.constant 0 : index
    %get3A_36 = arith.constant 0 : index
    %get3A_37 = vector.load %arg7[%get3A_35, %get3A_36] : memref<256x256xf32, #tpu.memory_space<vmem>>, vector<256x256xf32>
    %dot_general3A_38 = arith.constant dense<0.000000e+00> : vector<512x256xf32>
    %dot_general3A_39 = tpu.matmul %max3A_32, %get3A_37, %dot_general3A_38 {dimension_numbers = #tpu.dot_dimension_numbers<[1], [0], [0], [1], [0, 0, 1, 1], [], []>, transpose_lhs_hint = false} : vector<512x256xf32>, vector<256x256xf32>, vector<512x256xf32> -> vector<512x256xf32>
    %get3A_40 = arith.constant 0 : index
    %get3A_41 = arith.constant 0 : index
    %get3A_42 = vector.load %arg8[%get3A_40, %get3A_41] : memref<1x256xf32, #tpu.memory_space<vmem>>, vector<1x256xf32>
    %add3A_43 = vector.broadcast %get3A_42 : vector<1x256xf32> to vector<512x256xf32>
    %add3A_44 = arith.addf %dot_general3A_39, %add3A_43 : vector<512x256xf32>
    %max3A_45 = arith.constant 0.000000e+00 : f32
    %max3A_46 = vector.broadcast %max3A_45 : f32 to vector<512x256xf32>
    %max3A_47 = arith.maximumf %add3A_44, %max3A_46 : vector<512x256xf32>
    %get3A_48 = arith.constant 0 : index
    %get3A_49 = arith.constant 0 : index
    %get3A_50 = vector.load %arg9[%get3A_48, %get3A_49] : memref<1x256xf32, #tpu.memory_space<vmem>>, vector<1x256xf32>
    %mul3A_51 = vector.broadcast %get3A_50 : vector<1x256xf32> to vector<512x256xf32>
    %mul3A_52 = arith.mulf %max3A_47, %mul3A_51 : vector<512x256xf32>
    %exp3A = math.exp %mul3A_52 : vector<512x256xf32>
    %mul3A_53 = arith.mulf %max3A_47, %exp3A : vector<512x256xf32>
    %slice3A = vector.extract_strided_slice %exp3A {offsets = [0, 0], sizes = [512, 128], strides = [1, 1]} : vector<512x256xf32> to vector<512x128xf32>
    %swap3A_54 = arith.constant 0 : index
    %swap3A_55 = arith.constant 0 : index
    %swap3A_56 = vector.load %arg11[%swap3A_54, %swap3A_55] : memref<512x128xf32, #tpu.memory_space<vmem>>, vector<512x128xf32>
    tpu.vector_store %arg11[%swap3A_54, %swap3A_55], %slice3A {strides = array<i32>} : memref<512x128xf32, #tpu.memory_space<vmem>>, vector<512x128xf32>,
    %slice3A_57 = vector.extract_strided_slice %exp3A {offsets = [0, 128], sizes = [512, 128], strides = [1, 1]} : vector<512x256xf32> to vector<512x128xf32>
    %swap3A_58 = arith.constant 0 : index
    %swap3A_59 = arith.constant 0 : index
    %swap3A_60 = vector.load %arg12[%swap3A_58, %swap3A_59] : memref<512x128xf32, #tpu.memory_space<vmem>>, vector<512x128xf32>
    tpu.vector_store %arg12[%swap3A_58, %swap3A_59], %slice3A_57 {strides = array<i32>} : memref<512x128xf32, #tpu.memory_space<vmem>>, vector<512x128xf32>,
    %slice3A_61 = vector.extract_strided_slice %mul3A_53 {offsets = [0, 0], sizes = [512, 128], strides = [1, 1]} : vector<512x256xf32> to vector<512x128xf32>
    %swap3A_62 = arith.constant 0 : index
    %swap3A_63 = arith.constant 0 : index
    %swap3A_64 = vector.load %arg13[%swap3A_62, %swap3A_63] : memref<512x128xf32, #tpu.memory_space<vmem>>, vector<512x128xf32>
    tpu.vector_store %arg13[%swap3A_62, %swap3A_63], %slice3A_61 {strides = array<i32>} : memref<512x128xf32, #tpu.memory_space<vmem>>, vector<512x128xf32>,
    %slice3A_65 = vector.extract_strided_slice %mul3A_53 {offsets = [0, 128], sizes = [512, 128], strides = [1, 1]} : vector<512x256xf32> to vector<512x128xf32>
    %swap3A_66 = arith.constant 0 : index
    %swap3A_67 = arith.constant 0 : index
    %swap3A_68 = vector.load %arg14[%swap3A_66, %swap3A_67] : memref<512x128xf32, #tpu.memory_space<vmem>>, vector<512x128xf32>
    tpu.vector_store %arg14[%swap3A_66, %swap3A_67], %slice3A_65 {strides = array<i32>} : memref<512x128xf32, #tpu.memory_space<vmem>>, vector<512x128xf32>,
    return
  }
  func.func @transform_0(%arg0: i32) -> (i32, i32) {
    %c0_i32 = arith.constant 0 : i32
    %c0_i32_0 = arith.constant 0 : i32
    return %arg0, %c0_i32 : i32, i32
  }
  func.func @transform_1(%arg0: i32) -> (i32, i32) {
    %c0_i32 = arith.constant 0 : i32
    %c0_i32_0 = arith.constant 0 : i32
    return %arg0, %c0_i32 : i32, i32
  }
  func.func @transform_2(%arg0: i32) -> (i32, i32) {
    %c0_i32 = arith.constant 0 : i32
    %c0_i32_0 = arith.constant 0 : i32
    return %arg0, %c0_i32 : i32, i32
  }
  func.func @transform_3(%arg0: i32) -> (i32, i32) {
    %c0_i32 = arith.constant 0 : i32
    %c0_i32_0 = arith.constant 0 : i32
    %c0_i32_1 = arith.constant 0 : i32
    return %c0_i32, %c0_i32_0 : i32, i32
  }
  func.func @transform_4(%arg0: i32) -> (i32, i32) {
    %c0_i32 = arith.constant 0 : i32
    %c0_i32_0 = arith.constant 0 : i32
    %c0_i32_1 = arith.constant 0 : i32
    return %c0_i32, %c0_i32_0 : i32, i32
  }
  func.func @transform_5(%arg0: i32) -> (i32, i32) {
    %c0_i32 = arith.constant 0 : i32
    %c0_i32_0 = arith.constant 0 : i32
    %c0_i32_1 = arith.constant 0 : i32
    return %c0_i32, %c0_i32_0 : i32, i32
  }
  func.func @transform_6(%arg0: i32) -> (i32, i32) {
    %c0_i32 = arith.constant 0 : i32
    %c0_i32_0 = arith.constant 0 : i32
    %c0_i32_1 = arith.constant 0 : i32
    return %c0_i32, %c0_i32_0 : i32, i32
  }
  func.func @transform_7(%arg0: i32) -> (i32, i32) {
    %c0_i32 = arith.constant 0 : i32
    %c0_i32_0 = arith.constant 0 : i32
    %c0_i32_1 = arith.constant 0 : i32
    return %c0_i32, %c0_i32_0 : i32, i32
  }
  func.func @transform_8(%arg0: i32) -> (i32, i32) {
    %c0_i32 = arith.constant 0 : i32
    %c0_i32_0 = arith.constant 0 : i32
    %c0_i32_1 = arith.constant 0 : i32
    return %c0_i32, %c0_i32_0 : i32, i32
  }
  func.func @transform_9(%arg0: i32) -> (i32, i32) {
    %c0_i32 = arith.constant 0 : i32
    %c0_i32_0 = arith.constant 0 : i32
    return %arg0, %c0_i32 : i32, i32
  }
  func.func @transform_10(%arg0: i32) -> (i32, i32) {
    %c0_i32 = arith.constant 0 : i32
    %c0_i32_0 = arith.constant 0 : i32
    return %arg0, %c0_i32 : i32, i32
  }
  func.func @transform_11(%arg0: i32) -> (i32, i32) {
    %c0_i32 = arith.constant 0 : i32
    %c0_i32_0 = arith.constant 0 : i32
    return %arg0, %c0_i32 : i32, i32
  }
  func.func @transform_12(%arg0: i32) -> (i32, i32) {
    %c0_i32 = arith.constant 0 : i32
    %c0_i32_0 = arith.constant 0 : i32
    return %arg0, %c0_i32 : i32, i32
  }
  func.func @transform_13(%arg0: i32) -> (i32, i32) {
    %c0_i32 = arith.constant 0 : i32
    %c0_i32_0 = arith.constant 0 : i32
    return %arg0, %c0_i32 : i32, i32
  }
}

module attributes {stable_mosaic.version = 14 : i64} {
  func.func @_combine2_body(%arg0: i32, %arg1: memref<512x128xf32, #tpu.memory_space<vmem>>, %arg2: memref<512x128xf32, #tpu.memory_space<vmem>>, %arg3: memref<512x128xf32, #tpu.memory_space<vmem>>, %arg4: memref<512x128xf32, #tpu.memory_space<vmem>>, %arg5: memref<512x256xf32, #tpu.memory_space<vmem>>, %arg6: memref<128x128xf32, #tpu.memory_space<vmem>>, %arg7: memref<128x128xf32, #tpu.memory_space<vmem>>, %arg8: memref<1x128xf32, #tpu.memory_space<vmem>>, %arg9: memref<256x128xf32, #tpu.memory_space<vmem>>, %arg10: memref<512x128xf32, #tpu.memory_space<vmem>>) attributes {dimension_semantics = [#tpu.dimension_semantics<arbitrary>], iteration_bounds = array<i64: 20>, scalar_prefetch = 0 : i64, scratch_operands = 0 : i64, tpu.core_type = #tpu.core_type<tc>, window_params = [{transform_indices = @transform_0, window_bounds = array<i64: 512, 128>}, {transform_indices = @transform_1, window_bounds = array<i64: 512, 128>}, {transform_indices = @transform_2, window_bounds = array<i64: 512, 128>}, {transform_indices = @transform_3, window_bounds = array<i64: 512, 128>}, {transform_indices = @transform_4, window_bounds = array<i64: 512, 256>}, {pipeline_mode = #tpu.pipeline_mode<synchronous>, transform_indices = @transform_5, window_bounds = array<i64: 128, 128>}, {pipeline_mode = #tpu.pipeline_mode<synchronous>, transform_indices = @transform_6, window_bounds = array<i64: 128, 128>}, {pipeline_mode = #tpu.pipeline_mode<synchronous>, transform_indices = @transform_7, window_bounds = array<i64: 1, 128>}, {pipeline_mode = #tpu.pipeline_mode<synchronous>, transform_indices = @transform_8, window_bounds = array<i64: 256, 128>}, {transform_indices = @transform_9, window_bounds = array<i64: 512, 128>}]} {
    %get3A = arith.constant 0 : index
    %get3A_0 = arith.constant 0 : index
    %get3A_1 = vector.load %arg3[%get3A, %get3A_0] : memref<512x128xf32, #tpu.memory_space<vmem>>, vector<512x128xf32>
    %get3A_2 = arith.constant 0 : index
    %get3A_3 = arith.constant 0 : index
    %get3A_4 = vector.load %arg1[%get3A_2, %get3A_3] : memref<512x128xf32, #tpu.memory_space<vmem>>, vector<512x128xf32>
    %add3A = arith.constant 1.000000e-16 : f32
    %add3A_5 = vector.broadcast %add3A : f32 to vector<512x128xf32>
    %add3A_6 = arith.addf %get3A_4, %add3A_5 : vector<512x128xf32>
    %div3A = arith.divf %get3A_1, %add3A_6 : vector<512x128xf32>
    %get3A_7 = arith.constant 0 : index
    %get3A_8 = arith.constant 0 : index
    %get3A_9 = vector.load %arg4[%get3A_7, %get3A_8] : memref<512x128xf32, #tpu.memory_space<vmem>>, vector<512x128xf32>
    %get3A_10 = arith.constant 0 : index
    %get3A_11 = arith.constant 0 : index
    %get3A_12 = vector.load %arg2[%get3A_10, %get3A_11] : memref<512x128xf32, #tpu.memory_space<vmem>>, vector<512x128xf32>
    %add3A_13 = arith.constant 1.000000e-16 : f32
    %add3A_14 = vector.broadcast %add3A_13 : f32 to vector<512x128xf32>
    %add3A_15 = arith.addf %get3A_12, %add3A_14 : vector<512x128xf32>
    %div3A_16 = arith.divf %get3A_9, %add3A_15 : vector<512x128xf32>
    %get3A_17 = arith.constant 0 : index
    %get3A_18 = arith.constant 0 : index
    %get3A_19 = vector.load %arg6[%get3A_17, %get3A_18] : memref<128x128xf32, #tpu.memory_space<vmem>>, vector<128x128xf32>
    %dot_general3A = arith.constant dense<0.000000e+00> : vector<512x128xf32>
    %dot_general3A_20 = tpu.matmul %div3A, %get3A_19, %dot_general3A {dimension_numbers = #tpu.dot_dimension_numbers<[1], [0], [0], [1], [0, 0, 1, 1], [], []>, transpose_lhs_hint = false} : vector<512x128xf32>, vector<128x128xf32>, vector<512x128xf32> -> vector<512x128xf32>
    %get3A_21 = arith.constant 0 : index
    %get3A_22 = arith.constant 0 : index
    %get3A_23 = vector.load %arg7[%get3A_21, %get3A_22] : memref<128x128xf32, #tpu.memory_space<vmem>>, vector<128x128xf32>
    %dot_general3A_24 = arith.constant dense<0.000000e+00> : vector<512x128xf32>
    %dot_general3A_25 = tpu.matmul %div3A_16, %get3A_23, %dot_general3A_24 {dimension_numbers = #tpu.dot_dimension_numbers<[1], [0], [0], [1], [0, 0, 1, 1], [], []>, transpose_lhs_hint = false} : vector<512x128xf32>, vector<128x128xf32>, vector<512x128xf32> -> vector<512x128xf32>
    %add3A_26 = arith.addf %dot_general3A_20, %dot_general3A_25 : vector<512x128xf32>
    %get3A_27 = arith.constant 0 : index
    %get3A_28 = arith.constant 0 : index
    %get3A_29 = vector.load %arg8[%get3A_27, %get3A_28] : memref<1x128xf32, #tpu.memory_space<vmem>>, vector<1x128xf32>
    %add3A_30 = vector.broadcast %get3A_29 : vector<1x128xf32> to vector<512x128xf32>
    %add3A_31 = arith.addf %add3A_26, %add3A_30 : vector<512x128xf32>
    %get3A_32 = arith.constant 0 : index
    %get3A_33 = arith.constant 0 : index
    %get3A_34 = vector.load %arg5[%get3A_32, %get3A_33] : memref<512x256xf32, #tpu.memory_space<vmem>>, vector<512x256xf32>
    %get3A_35 = arith.constant 0 : index
    %get3A_36 = arith.constant 0 : index
    %get3A_37 = vector.load %arg9[%get3A_35, %get3A_36] : memref<256x128xf32, #tpu.memory_space<vmem>>, vector<256x128xf32>
    %dot_general3A_38 = arith.constant dense<0.000000e+00> : vector<512x128xf32>
    %dot_general3A_39 = tpu.matmul %get3A_34, %get3A_37, %dot_general3A_38 {dimension_numbers = #tpu.dot_dimension_numbers<[1], [0], [0], [1], [0, 0, 1, 1], [], []>, transpose_lhs_hint = false} : vector<512x256xf32>, vector<256x128xf32>, vector<512x128xf32> -> vector<512x128xf32>
    %add3A_40 = arith.addf %add3A_31, %dot_general3A_39 : vector<512x128xf32>
    %mul3A = arith.mulf %add3A_40, %add3A_40 : vector<512x128xf32>
    %reduce_sum3A = arith.constant dense<0.000000e+00> : vector<512xf32>
    %reduce_sum3A_41 = vector.multi_reduction <add>, %mul3A, %reduce_sum3A [1] : vector<512x128xf32> to vector<512xf32>
    %broadcast_in_dim3A = vector.shape_cast %reduce_sum3A_41 : vector<512xf32> to vector<512x1xf32>
    %sqrt3A = math.sqrt %broadcast_in_dim3A : vector<512x1xf32>
    %max3A = arith.constant 9.99999996E-13 : f32
    %max3A_42 = vector.broadcast %max3A : f32 to vector<512x1xf32>
    %max3A_43 = arith.maximumf %sqrt3A, %max3A_42 : vector<512x1xf32>
    %div3A_44 = vector.broadcast %max3A_43 : vector<512x1xf32> to vector<512x128xf32>
    %div3A_45 = arith.divf %add3A_40, %div3A_44 : vector<512x128xf32>
    %max3A_46 = arith.constant 0.000000e+00 : f32
    %max3A_47 = vector.broadcast %max3A_46 : f32 to vector<512x128xf32>
    %max3A_48 = arith.maximumf %div3A_45, %max3A_47 : vector<512x128xf32>
    %swap3A = arith.constant 0 : index
    %swap3A_49 = arith.constant 0 : index
    %swap3A_50 = vector.load %arg10[%swap3A, %swap3A_49] : memref<512x128xf32, #tpu.memory_space<vmem>>, vector<512x128xf32>
    tpu.vector_store %arg10[%swap3A, %swap3A_49], %max3A_48 {strides = array<i32>} : memref<512x128xf32, #tpu.memory_space<vmem>>, vector<512x128xf32>,
    return
  }
  func.func @transform_0(%arg0: i32) -> (i32, i32) {
    %c0_i32 = arith.constant 0 : i32
    %c0_i32_0 = arith.constant 0 : i32
    return %arg0, %c0_i32 : i32, i32
  }
  func.func @transform_1(%arg0: i32) -> (i32, i32) {
    %c0_i32 = arith.constant 0 : i32
    %c0_i32_0 = arith.constant 0 : i32
    return %arg0, %c0_i32 : i32, i32
  }
  func.func @transform_2(%arg0: i32) -> (i32, i32) {
    %c0_i32 = arith.constant 0 : i32
    %c0_i32_0 = arith.constant 0 : i32
    return %arg0, %c0_i32 : i32, i32
  }
  func.func @transform_3(%arg0: i32) -> (i32, i32) {
    %c0_i32 = arith.constant 0 : i32
    %c0_i32_0 = arith.constant 0 : i32
    return %arg0, %c0_i32 : i32, i32
  }
  func.func @transform_4(%arg0: i32) -> (i32, i32) {
    %c0_i32 = arith.constant 0 : i32
    %c0_i32_0 = arith.constant 0 : i32
    return %arg0, %c0_i32 : i32, i32
  }
  func.func @transform_5(%arg0: i32) -> (i32, i32) {
    %c0_i32 = arith.constant 0 : i32
    %c0_i32_0 = arith.constant 0 : i32
    %c0_i32_1 = arith.constant 0 : i32
    return %c0_i32, %c0_i32_0 : i32, i32
  }
  func.func @transform_6(%arg0: i32) -> (i32, i32) {
    %c0_i32 = arith.constant 0 : i32
    %c0_i32_0 = arith.constant 0 : i32
    %c0_i32_1 = arith.constant 0 : i32
    return %c0_i32, %c0_i32_0 : i32, i32
  }
  func.func @transform_7(%arg0: i32) -> (i32, i32) {
    %c0_i32 = arith.constant 0 : i32
    %c0_i32_0 = arith.constant 0 : i32
    %c0_i32_1 = arith.constant 0 : i32
    return %c0_i32, %c0_i32_0 : i32, i32
  }
  func.func @transform_8(%arg0: i32) -> (i32, i32) {
    %c0_i32 = arith.constant 0 : i32
    %c0_i32_0 = arith.constant 0 : i32
    %c0_i32_1 = arith.constant 0 : i32
    return %c0_i32, %c0_i32_0 : i32, i32
  }
  func.func @transform_9(%arg0: i32) -> (i32, i32) {
    %c0_i32 = arith.constant 0 : i32
    %c0_i32_0 = arith.constant 0 : i32
    return %arg0, %c0_i32 : i32, i32
  }
}

module attributes {stable_mosaic.version = 14 : i64} {
  func.func @_head_body(%arg0: i32, %arg1: memref<512x128xf32, #tpu.memory_space<vmem>>, %arg2: memref<128x16xf32, #tpu.memory_space<vmem>>, %arg3: memref<1x16xf32, #tpu.memory_space<vmem>>, %arg4: memref<16x16xf32, #tpu.memory_space<vmem>>, %arg5: memref<16x4xf32, #tpu.memory_space<vmem>>, %arg6: memref<128x128xf32, #tpu.memory_space<vmem>>, %arg7: memref<1x128xf32, #tpu.memory_space<vmem>>, %arg8: memref<128x128xf32, #tpu.memory_space<vmem>>, %arg9: memref<1x128xf32, #tpu.memory_space<vmem>>, %arg10: memref<1x128xf32, #tpu.memory_space<vmem>>, %arg11: memref<1x128xf32, #tpu.memory_space<vmem>>, %arg12: memref<1x128xf32, #tpu.memory_space<vmem>>, %arg13: memref<4x128xf32, #tpu.memory_space<vmem>>) attributes {dimension_semantics = [#tpu.dimension_semantics<arbitrary>], iteration_bounds = array<i64: 20>, scalar_prefetch = 0 : i64, scratch_operands = 1 : i64, tpu.core_type = #tpu.core_type<tc>, window_params = [{transform_indices = @transform_0, window_bounds = array<i64: 512, 128>}, {pipeline_mode = #tpu.pipeline_mode<synchronous>, transform_indices = @transform_1, window_bounds = array<i64: 128, 16>}, {pipeline_mode = #tpu.pipeline_mode<synchronous>, transform_indices = @transform_2, window_bounds = array<i64: 1, 16>}, {pipeline_mode = #tpu.pipeline_mode<synchronous>, transform_indices = @transform_3, window_bounds = array<i64: 16, 16>}, {pipeline_mode = #tpu.pipeline_mode<synchronous>, transform_indices = @transform_4, window_bounds = array<i64: 16, 4>}, {pipeline_mode = #tpu.pipeline_mode<synchronous>, transform_indices = @transform_5, window_bounds = array<i64: 128, 128>}, {pipeline_mode = #tpu.pipeline_mode<synchronous>, transform_indices = @transform_6, window_bounds = array<i64: 1, 128>}, {pipeline_mode = #tpu.pipeline_mode<synchronous>, transform_indices = @transform_7, window_bounds = array<i64: 128, 128>}, {pipeline_mode = #tpu.pipeline_mode<synchronous>, transform_indices = @transform_8, window_bounds = array<i64: 1, 128>}, {pipeline_mode = #tpu.pipeline_mode<synchronous>, transform_indices = @transform_9, window_bounds = array<i64: 1, 128>}, {pipeline_mode = #tpu.pipeline_mode<synchronous>, transform_indices = @transform_10, window_bounds = array<i64: 1, 128>}, {pipeline_mode = #tpu.pipeline_mode<synchronous>, transform_indices = @transform_11, window_bounds = array<i64: 1, 128>}]} {
    %iota3A = tpu.iota {dimensions = array<i32: 0>} : vector<512x1xi32>
    %mul3A = arith.constant 512 : i32
    %mul3A_0 = arith.muli %arg0, %mul3A : i32
    %add3A = vector.broadcast %mul3A_0 : i32 to vector<512x1xi32>
    %add3A_1 = arith.addi %iota3A, %add3A : vector<512x1xi32>
    %lt3A = arith.constant 10000 : i32
    %lt3A_2 = vector.broadcast %lt3A : i32 to vector<512x1xi32>
    %lt3A_3 = arith.cmpi slt, %add3A_1, %lt3A_2 : vector<512x1xi32>
    %get3A = arith.constant 0 : index
    %get3A_4 = arith.constant 0 : index
    %get3A_5 = vector.load %arg1[%get3A, %get3A_4] : memref<512x128xf32, #tpu.memory_space<vmem>>, vector<512x128xf32>
    %jit3A = arith.constant 0.000000e+00 : f32
    %broadcast_in_dim3A = vector.shape_cast %lt3A_3 : vector<512x1xi1> to vector<512x1xi1>
    %broadcast_in_dim3A_6 = vector.broadcast %broadcast_in_dim3A : vector<512x1xi1> to vector<512x128xi1>
    %broadcast_in_dim3A_7 = vector.broadcast %jit3A : f32 to vector<512x128xf32>
    %select_n3A = arith.select %broadcast_in_dim3A_6, %get3A_5, %broadcast_in_dim3A_7 : vector<512x128xi1>, vector<512x128xf32>
    %mul3A_8 = arith.mulf %select_n3A, %select_n3A : vector<512x128xf32>
    %reduce_sum3A = arith.constant dense<0.000000e+00> : vector<512xf32>
    %reduce_sum3A_9 = vector.multi_reduction <add>, %mul3A_8, %reduce_sum3A [1] : vector<512x128xf32> to vector<512xf32>
    %broadcast_in_dim3A_10 = vector.shape_cast %reduce_sum3A_9 : vector<512xf32> to vector<512x1xf32>
    %get3A_11 = arith.constant 0 : index
    %get3A_12 = arith.constant 0 : index
    %get3A_13 = vector.load %arg3[%get3A_11, %get3A_12] : memref<1x16xf32, #tpu.memory_space<vmem>>, vector<1x16xf32>
    %add3A_14 = vector.broadcast %broadcast_in_dim3A_10 : vector<512x1xf32> to vector<512x16xf32>
    %add3A_15 = vector.broadcast %get3A_13 : vector<1x16xf32> to vector<512x16xf32>
    %add3A_16 = arith.addf %add3A_14, %add3A_15 : vector<512x16xf32>
    %get3A_17 = arith.constant 0 : index
    %get3A_18 = arith.constant 0 : index
    %get3A_19 = vector.load %arg2[%get3A_17, %get3A_18] : memref<128x16xf32, #tpu.memory_space<vmem>>, vector<128x16xf32>
    %dot_general3A = arith.constant dense<0.000000e+00> : vector<512x16xf32>
    %dot_general3A_20 = tpu.matmul %select_n3A, %get3A_19, %dot_general3A {dimension_numbers = #tpu.dot_dimension_numbers<[1], [0], [0], [1], [0, 0, 1, 1], [], []>, transpose_lhs_hint = false} : vector<512x128xf32>, vector<128x16xf32>, vector<512x16xf32> -> vector<512x16xf32>
    %mul3A_21 = arith.constant 2.000000e+00 : f32
    %mul3A_22 = vector.broadcast %mul3A_21 : f32 to vector<512x16xf32>
    %mul3A_23 = arith.mulf %mul3A_22, %dot_general3A_20 : vector<512x16xf32>
    %sub3A = arith.subf %add3A_16, %mul3A_23 : vector<512x16xf32>
    %max3A = arith.constant 0.000000e+00 : f32
    %max3A_24 = vector.broadcast %max3A : f32 to vector<512x16xf32>
    %max3A_25 = arith.maximumf %sub3A, %max3A_24 : vector<512x16xf32>
    %add3A_26 = arith.constant 1.000000e+00 : f32
    %add3A_27 = vector.broadcast %add3A_26 : f32 to vector<512x16xf32>
    %add3A_28 = arith.addf %add3A_27, %max3A_25 : vector<512x16xf32>
    %div3A = arith.constant 1.000000e+00 : f32
    %div3A_29 = vector.broadcast %div3A : f32 to vector<512x16xf32>
    %div3A_30 = arith.divf %div3A_29, %add3A_28 : vector<512x16xf32>
    %get3A_31 = arith.constant 0 : index
    %get3A_32 = arith.constant 0 : index
    %get3A_33 = vector.load %arg4[%get3A_31, %get3A_32] : memref<16x16xf32, #tpu.memory_space<vmem>>, vector<16x16xf32>
    %dot_general3A_34 = arith.constant dense<0.000000e+00> : vector<512x16xf32>
    %dot_general3A_35 = tpu.matmul %div3A_30, %get3A_33, %dot_general3A_34 {dimension_numbers = #tpu.dot_dimension_numbers<[1], [0], [0], [1], [0, 0, 1, 1], [], []>, transpose_lhs_hint = false} : vector<512x16xf32>, vector<16x16xf32>, vector<512x16xf32> -> vector<512x16xf32>
    %div3A_36 = arith.divf %div3A_30, %dot_general3A_35 : vector<512x16xf32>
    %get3A_37 = arith.constant 0 : index
    %get3A_38 = arith.constant 0 : index
    %get3A_39 = vector.load %arg5[%get3A_37, %get3A_38] : memref<16x4xf32, #tpu.memory_space<vmem>>, vector<16x4xf32>
    %dot_general3A_40 = arith.constant dense<0.000000e+00> : vector<512x4xf32>
    %dot_general3A_41 = tpu.matmul %div3A_36, %get3A_39, %dot_general3A_40 {dimension_numbers = #tpu.dot_dimension_numbers<[1], [0], [0], [1], [0, 0, 1, 1], [], []>, transpose_lhs_hint = false} : vector<512x16xf32>, vector<16x4xf32>, vector<512x4xf32> -> vector<512x4xf32>
    %reduce_max3A = arith.constant dense<0xFF800000> : vector<512xf32>
    %reduce_max3A_42 = vector.multi_reduction <maximumf>, %dot_general3A_41, %reduce_max3A [1] : vector<512x4xf32> to vector<512xf32>
    %broadcast_in_dim3A_43 = vector.shape_cast %reduce_max3A_42 : vector<512xf32> to vector<512x1xf32>
    %sub3A_44 = vector.broadcast %broadcast_in_dim3A_43 : vector<512x1xf32> to vector<512x4xf32>
    %sub3A_45 = arith.subf %dot_general3A_41, %sub3A_44 : vector<512x4xf32>
    %exp3A = math.exp %sub3A_45 : vector<512x4xf32>
    %reduce_sum3A_46 = arith.constant dense<0.000000e+00> : vector<512xf32>
    %reduce_sum3A_47 = vector.multi_reduction <add>, %exp3A, %reduce_sum3A_46 [1] : vector<512x4xf32> to vector<512xf32>
    %broadcast_in_dim3A_48 = vector.shape_cast %reduce_sum3A_47 : vector<512xf32> to vector<512x1xf32>
    %div3A_49 = vector.broadcast %broadcast_in_dim3A_48 : vector<512x1xf32> to vector<512x4xf32>
    %div3A_50 = arith.divf %exp3A, %div3A_49 : vector<512x4xf32>
    %lt3A_51 = arith.constant 10000 : i32
    %lt3A_52 = vector.broadcast %lt3A_51 : i32 to vector<512x1xi32>
    %lt3A_53 = arith.cmpi slt, %add3A_1, %lt3A_52 : vector<512x1xi32>
    %jit3A_54 = arith.constant 0.000000e+00 : f32
    %broadcast_in_dim3A_55 = vector.shape_cast %lt3A_53 : vector<512x1xi1> to vector<512x1xi1>
    %broadcast_in_dim3A_56 = vector.broadcast %broadcast_in_dim3A_55 : vector<512x1xi1> to vector<512x4xi1>
    %broadcast_in_dim3A_57 = vector.broadcast %jit3A_54 : f32 to vector<512x4xf32>
    %select_n3A_58 = arith.select %broadcast_in_dim3A_56, %div3A_50, %broadcast_in_dim3A_57 : vector<512x4xi1>, vector<512x4xf32>
    %dot_general3A_59 = arith.constant dense<0.000000e+00> : vector<4x128xf32>
    %dot_general3A_60 = tpu.matmul %select_n3A_58, %select_n3A, %dot_general3A_59 {dimension_numbers = #tpu.dot_dimension_numbers<[0], [0], [1], [1], [0, 1, 1, 1], [], []>, transpose_lhs_hint = false} : vector<512x4xf32>, vector<512x128xf32>, vector<4x128xf32> -> vector<4x128xf32>
    %eq3A = arith.constant 0 : i32
    %eq3A_61 = arith.cmpi eq, %arg0, %eq3A : i32
    %convert_element_type3A = arith.extui %eq3A_61 : i1 to i32
    %cond3A = arith.constant 0 : i32
    %cond3A_62 = arith.cmpi ne, %convert_element_type3A, %cond3A : i32
    scf.if %cond3A_62 {
      %broadcast_in_dim3A_74 = arith.constant 0.000000e+00 : f32
      %broadcast_in_dim3A_75 = vector.broadcast %broadcast_in_dim3A_74 : f32 to vector<4x128xf32>
      %swap3A_76 = arith.constant 0 : index
      %swap3A_77 = arith.constant 0 : index
      %swap3A_78 = vector.load %arg13[%swap3A_76, %swap3A_77] : memref<4x128xf32, #tpu.memory_space<vmem>>, vector<4x128xf32>
      tpu.vector_store %arg13[%swap3A_76, %swap3A_77], %broadcast_in_dim3A_75 {strides = array<i32>} : memref<4x128xf32, #tpu.memory_space<vmem>>, vector<4x128xf32>,
    } else {
    }
    %get3A_63 = arith.constant 0 : index
    %get3A_64 = arith.constant 0 : index
    %get3A_65 = vector.load %arg13[%get3A_63, %get3A_64] : memref<4x128xf32, #tpu.memory_space<vmem>>, vector<4x128xf32>
    %add3A_66 = arith.addf %get3A_65, %dot_general3A_60 : vector<4x128xf32>
    %swap3A = arith.constant 0 : index
    %swap3A_67 = arith.constant 0 : index
    %swap3A_68 = vector.load %arg13[%swap3A, %swap3A_67] : memref<4x128xf32, #tpu.memory_space<vmem>>, vector<4x128xf32>
    tpu.vector_store %arg13[%swap3A, %swap3A_67], %add3A_66 {strides = array<i32>} : memref<4x128xf32, #tpu.memory_space<vmem>>, vector<4x128xf32>,
    %eq3A_69 = arith.constant 19 : i32
    %eq3A_70 = arith.cmpi eq, %arg0, %eq3A_69 : i32
    %convert_element_type3A_71 = arith.extui %eq3A_70 : i1 to i32
    %cond3A_72 = arith.constant 0 : i32
    %cond3A_73 = arith.cmpi ne, %convert_element_type3A_71, %cond3A_72 : i32
    scf.if %cond3A_73 {
      %get3A_74 = arith.constant 0 : index
      %get3A_75 = arith.constant 0 : index
      %get3A_76 = vector.load %arg13[%get3A_74, %get3A_75] : memref<4x128xf32, #tpu.memory_space<vmem>>, vector<4x128xf32>
      %get3A_77 = arith.constant 0 : index
      %get3A_78 = arith.constant 0 : index
      %get3A_79 = vector.load %arg6[%get3A_77, %get3A_78] : memref<128x128xf32, #tpu.memory_space<vmem>>, vector<128x128xf32>
      %dot_general3A_80 = arith.constant dense<0.000000e+00> : vector<4x128xf32>
      %dot_general3A_81 = tpu.matmul %get3A_76, %get3A_79, %dot_general3A_80 {dimension_numbers = #tpu.dot_dimension_numbers<[1], [0], [0], [1], [0, 0, 1, 1], [], []>, transpose_lhs_hint = false} : vector<4x128xf32>, vector<128x128xf32>, vector<4x128xf32> -> vector<4x128xf32>
      %get3A_82 = arith.constant 0 : index
      %get3A_83 = arith.constant 0 : index
      %get3A_84 = vector.load %arg7[%get3A_82, %get3A_83] : memref<1x128xf32, #tpu.memory_space<vmem>>, vector<1x128xf32>
      %add3A_85 = vector.broadcast %get3A_84 : vector<1x128xf32> to vector<4x128xf32>
      %add3A_86 = arith.addf %dot_general3A_81, %add3A_85 : vector<4x128xf32>
      %reduce_sum3A_87 = arith.constant dense<0.000000e+00> : vector<128xf32>
      %reduce_sum3A_88 = vector.multi_reduction <add>, %add3A_86, %reduce_sum3A_87 [0] : vector<4x128xf32> to vector<128xf32>
      %broadcast_in_dim3A_89 = vector.shape_cast %reduce_sum3A_88 : vector<128xf32> to vector<1x128xf32>
      %div3A_90 = arith.constant 4.000000e+00 : f32
      %div3A_91 = vector.broadcast %div3A_90 : f32 to vector<1x128xf32>
      %div3A_92 = arith.divf %broadcast_in_dim3A_89, %div3A_91 : vector<1x128xf32>
      %get3A_93 = arith.constant 0 : index
      %get3A_94 = arith.constant 0 : index
      %get3A_95 = vector.load %arg8[%get3A_93, %get3A_94] : memref<128x128xf32, #tpu.memory_space<vmem>>, vector<128x128xf32>
      %dot_general3A_96 = arith.constant dense<0.000000e+00> : vector<1x128xf32>
      %dot_general3A_97 = tpu.matmul %div3A_92, %get3A_95, %dot_general3A_96 {dimension_numbers = #tpu.dot_dimension_numbers<[1], [0], [0], [1], [0, 0, 1, 1], [], []>, transpose_lhs_hint = false} : vector<1x128xf32>, vector<128x128xf32>, vector<1x128xf32> -> vector<1x128xf32>
      %get3A_98 = arith.constant 0 : index
      %get3A_99 = arith.constant 0 : index
      %get3A_100 = vector.load %arg9[%get3A_98, %get3A_99] : memref<1x128xf32, #tpu.memory_space<vmem>>, vector<1x128xf32>
      %add3A_101 = arith.addf %dot_general3A_97, %get3A_100 : vector<1x128xf32>
      %reduce_sum3A_102 = arith.constant dense<0.000000e+00> : vector<1xf32>
      %reduce_sum3A_103 = vector.multi_reduction <add>, %add3A_101, %reduce_sum3A_102 [1] : vector<1x128xf32> to vector<1xf32>
      %broadcast_in_dim3A_104 = vector.shape_cast %reduce_sum3A_103 : vector<1xf32> to vector<1x1xf32>
      %div3A_105 = arith.constant 1.280000e+02 : f32
      %div3A_106 = vector.broadcast %div3A_105 : f32 to vector<1x1xf32>
      %div3A_107 = arith.divf %broadcast_in_dim3A_104, %div3A_106 : vector<1x1xf32>
      %sub3A_108 = vector.broadcast %div3A_107 : vector<1x1xf32> to vector<1x128xf32>
      %sub3A_109 = arith.subf %add3A_101, %sub3A_108 : vector<1x128xf32>
      %sub3A_110 = vector.broadcast %div3A_107 : vector<1x1xf32> to vector<1x128xf32>
      %sub3A_111 = arith.subf %add3A_101, %sub3A_110 : vector<1x128xf32>
      %mul3A_112 = arith.mulf %sub3A_109, %sub3A_111 : vector<1x128xf32>
      %reduce_sum3A_113 = arith.constant dense<0.000000e+00> : vector<1xf32>
      %reduce_sum3A_114 = vector.multi_reduction <add>, %mul3A_112, %reduce_sum3A_113 [1] : vector<1x128xf32> to vector<1xf32>
      %broadcast_in_dim3A_115 = vector.shape_cast %reduce_sum3A_114 : vector<1xf32> to vector<1x1xf32>
      %div3A_116 = arith.constant 1.280000e+02 : f32
      %div3A_117 = vector.broadcast %div3A_116 : f32 to vector<1x1xf32>
      %div3A_118 = arith.divf %broadcast_in_dim3A_115, %div3A_117 : vector<1x1xf32>
      %sub3A_119 = vector.broadcast %div3A_107 : vector<1x1xf32> to vector<1x128xf32>
      %sub3A_120 = arith.subf %add3A_101, %sub3A_119 : vector<1x128xf32>
      %add3A_121 = arith.constant 9.99999974E-6 : f32
      %add3A_122 = vector.broadcast %add3A_121 : f32 to vector<1x1xf32>
      %add3A_123 = arith.addf %div3A_118, %add3A_122 : vector<1x1xf32>
      %sqrt3A = math.sqrt %add3A_123 : vector<1x1xf32>
      %div3A_124 = vector.broadcast %sqrt3A : vector<1x1xf32> to vector<1x128xf32>
      %div3A_125 = arith.divf %sub3A_120, %div3A_124 : vector<1x128xf32>
      %get3A_126 = arith.constant 0 : index
      %get3A_127 = arith.constant 0 : index
      %get3A_128 = vector.load %arg10[%get3A_126, %get3A_127] : memref<1x128xf32, #tpu.memory_space<vmem>>, vector<1x128xf32>
      %mul3A_129 = arith.mulf %div3A_125, %get3A_128 : vector<1x128xf32>
      %get3A_130 = arith.constant 0 : index
      %get3A_131 = arith.constant 0 : index
      %get3A_132 = vector.load %arg11[%get3A_130, %get3A_131] : memref<1x128xf32, #tpu.memory_space<vmem>>, vector<1x128xf32>
      %add3A_133 = arith.addf %mul3A_129, %get3A_132 : vector<1x128xf32>
      %max3A_134 = arith.constant 0.000000e+00 : f32
      %max3A_135 = vector.broadcast %max3A_134 : f32 to vector<1x128xf32>
      %max3A_136 = arith.maximumf %add3A_133, %max3A_135 : vector<1x128xf32>
      %swap3A_137 = arith.constant 0 : index
      %swap3A_138 = arith.constant 0 : index
      %swap3A_139 = vector.load %arg12[%swap3A_137, %swap3A_138] : memref<1x128xf32, #tpu.memory_space<vmem>>, vector<1x128xf32>
      tpu.vector_store %arg12[%swap3A_137, %swap3A_138], %max3A_136 {strides = array<i32>} : memref<1x128xf32, #tpu.memory_space<vmem>>, vector<1x128xf32>,
    } else {
    }
    return
  }
  func.func @transform_0(%arg0: i32) -> (i32, i32) {
    %c0_i32 = arith.constant 0 : i32
    %c0_i32_0 = arith.constant 0 : i32
    return %arg0, %c0_i32 : i32, i32
  }
  func.func @transform_1(%arg0: i32) -> (i32, i32) {
    %c0_i32 = arith.constant 0 : i32
    %c0_i32_0 = arith.constant 0 : i32
    %c0_i32_1 = arith.constant 0 : i32
    return %c0_i32, %c0_i32_0 : i32, i32
  }
  func.func @transform_2(%arg0: i32) -> (i32, i32) {
    %c0_i32 = arith.constant 0 : i32
    %c0_i32_0 = arith.constant 0 : i32
    %c0_i32_1 = arith.constant 0 : i32
    return %c0_i32, %c0_i32_0 : i32, i32
  }
  func.func @transform_3(%arg0: i32) -> (i32, i32) {
    %c0_i32 = arith.constant 0 : i32
    %c0_i32_0 = arith.constant 0 : i32
    %c0_i32_1 = arith.constant 0 : i32
    return %c0_i32, %c0_i32_0 : i32, i32
  }
  func.func @transform_4(%arg0: i32) -> (i32, i32) {
    %c0_i32 = arith.constant 0 : i32
    %c0_i32_0 = arith.constant 0 : i32
    %c0_i32_1 = arith.constant 0 : i32
    return %c0_i32, %c0_i32_0 : i32, i32
  }
  func.func @transform_5(%arg0: i32) -> (i32, i32) {
    %c0_i32 = arith.constant 0 : i32
    %c0_i32_0 = arith.constant 0 : i32
    %c0_i32_1 = arith.constant 0 : i32
    return %c0_i32, %c0_i32_0 : i32, i32
  }
  func.func @transform_6(%arg0: i32) -> (i32, i32) {
    %c0_i32 = arith.constant 0 : i32
    %c0_i32_0 = arith.constant 0 : i32
    %c0_i32_1 = arith.constant 0 : i32
    return %c0_i32, %c0_i32_0 : i32, i32
  }
  func.func @transform_7(%arg0: i32) -> (i32, i32) {
    %c0_i32 = arith.constant 0 : i32
    %c0_i32_0 = arith.constant 0 : i32
    %c0_i32_1 = arith.constant 0 : i32
    return %c0_i32, %c0_i32_0 : i32, i32
  }
  func.func @transform_8(%arg0: i32) -> (i32, i32) {
    %c0_i32 = arith.constant 0 : i32
    %c0_i32_0 = arith.constant 0 : i32
    %c0_i32_1 = arith.constant 0 : i32
    return %c0_i32, %c0_i32_0 : i32, i32
  }
  func.func @transform_9(%arg0: i32) -> (i32, i32) {
    %c0_i32 = arith.constant 0 : i32
    %c0_i32_0 = arith.constant 0 : i32
    %c0_i32_1 = arith.constant 0 : i32
    return %c0_i32, %c0_i32_0 : i32, i32
  }
  func.func @transform_10(%arg0: i32) -> (i32, i32) {
    %c0_i32 = arith.constant 0 : i32
    %c0_i32_0 = arith.constant 0 : i32
    %c0_i32_1 = arith.constant 0 : i32
    return %c0_i32, %c0_i32_0 : i32, i32
  }
  func.func @transform_11(%arg0: i32) -> (i32, i32) {
    %c0_i32 = arith.constant 0 : i32
    %c0_i32_0 = arith.constant 0 : i32
    %c0_i32_1 = arith.constant 0 : i32
    return %c0_i32, %c0_i32_0 : i32, i32
  }
}

</mosaic_0001>

<sc_bundles>
// kernel: kernel.12.cloned.1.call-start
scs
__scs_entry_jumppad:
0x0: {  	(pc) =	sbr.rel $0x88, $3  }
0x1: {  	(tag) =	ssettag $0x0;
	lr =	simm.s32 $0x1  }
0x2: {  	[smem:$0x3F8B] =	sst lr;
	_ =	strace $0xD0000000  }
0x3: {  	_ = 	snop  }
0x4: {  	_ = 	snop  }
0x5: {  	_ = 	snop  }
0x6: {  	_ = 	snop  }
0x7: {  	_ = 	snop  }
__scs_overlays_trampoline_lowered:
0x8: {  	[smem:$0x3F9A] =	sst s0  }
0x9: {  	[smem:$0x3F9B] =	sst s1  }
0xa: {  	[smem:$0x3F9C] =	sst s2  }
0xb: {  	[smem:$0x3F9D] =	sst s3  }
0xc: {  	[smem:$0x3F9E] =	sst s4  }
0xd: {  	[smem:$0x3F9F] =	sst s5  }
0xe: {  	[smem:$0x3FA0] =	sst s6  }
0xf: {  	[smem:$0x3FA1] =	sst s7  }
0x10: {  	[smem:$0x3FA2] =	sst s8  }
0x11: {  	[smem:$0x3FA3] =	sst s9;
	s0 =	simm.s32 @!p0 $0x0  }
0x12: {  	s1 =	sld [smem:$0x3F89];
	s0 =	simm.s32 @p0 $0x1  }
0x13: {  	[smem:$0x3FA4] =	sst s0;
	s0 =	simm.s32 @!p1 $0x0  }
0x14: {  	s2 =	sld [smem:$0x3F88];
	s0 =	simm.s32 @p1 $0x1  }
0x15: {  	[smem:$0x3FA5] =	sst s0;
	s0 =	simm.s32 @!p2 $0x0  }
0x16: {  	s3 =	sld [smem:$0x3FDB];
	s0 =	simm.s32 @p2 $0x1  }
0x17: {  	s4 =	simm.s32 $0x1BF5;
	[smem:$0x3FA7] =	sst s0  }
0x18: {  	s0 =	sld [smem:$0x3F8A];
	_ =	swait.ge [sflag:s4], $0x0  }
0x19: {  	s7 =	sld [smem:$0x3F8B]  }
0x1a: {  	s8 =	sadd.s32 $0xFFFFE003, lr  }
0x1b: {  	s9 =	sadd.s32 $0xFFFFFEF7, lr;
	s5 =	simm.s32 $0xFFFFFFFF;
	p2 =	slt.u32 s8, $0xFFFFF086  }
0x1c: {  	p1 =	slt.u32 s9, $0xF7A;
	s5 =	simm.s32 @!p2 $0x0  }
0x1d: {  	s5 =	simm.s32 @p1 $0x1;
	p0 =	seq.s32 s7, s2  }
0x1e: {  	s7 =	smul.u32 @!p0 $0xF7A, s2;
	p2 =	seq.s32 @!p0 s5, $0x0  }
0x1f: {  	s9 =	smul.u32 $0xF7A, s1;
	s8 =	simm.s32 @!p0 $0x1BF5;
	p2 =	por !p2, p0  }
0x20: {  	[sflag:s8] =	ssyncset.s32 @!p0 $0xFFFFF086;
	s6 =	sadd.s32 @!p0 s3, s7;
	s7 =	simm.s32 @!p0 $0x108  }
0x21: {  	s3 =	sadd.s32 s3, s9;
	s6 =	sadd.s32 @!p0 $0x88, s6;
	s7 =	simm.s32 @p2 $0x1082  }
0x22: {  	[simem:s7], [sflag:s8] =	dma.local @!p0 [hbm:s6], $0xF7A  }
0x23: {  	s9 =	sor.u32 $0xD0000000, s2;
	s6 =	simm.s32 $0x108;
	_ =	swait.ge @!p0 [sflag:s8], $0x0  }
0x24: {  	s3 =	sadd.s32 $0x88, s3;
	s6 =	simm.s32 @!p1 $0x1082;
	[sflag:s4] =	ssyncset.s32 $0xFFFFF086  }
0x25: {  	[simem:s6], [sflag:s4] =	dma.local [hbm:s3], $0xF7A  }
0x26: {  	[smem:$0x3F8B] =	sst s1;
	(tag) =	ssettag s2;
	_ =	strace s9  }
0x27: {  	s1 =	sld [smem:$0x3F9B]  }
0x28: {  	s2 =	sld [smem:$0x3F9C]  }
0x29: {  	s4 =	sld [smem:$0x3F9E]  }
0x2a: {  	p0 =	seq.s32 s5, $0x0;
	s5 =	sld [smem:$0x3F9F]  }
0x2b: {  	s6 =	sld [smem:$0x3FA0]  }
0x2c: {  	s7 =	sld [smem:$0x3FA1]  }
0x2d: {  	s3 =	simm.s32 $0x108;
	s8 =	sld [smem:$0x3FA2]  }
0x2e: {  	s3 =	simm.s32 @!p0 $0x1082;
	s9 =	sld [smem:$0x3FA3]  }
0x2f: {  	lr =	sadd.s32 s0, s3;
	s0 =	sld [smem:$0x3F9A]  }
0x30: {  	s3 =	sld [smem:$0x3F9D]  }
0x31: {  	[smem:$0x3FA6] =	sst s10  }
0x32: {  	s10 =	sld [smem:$0x3FA4];
	_ =	sdelay $0x3  }
0x33: {  	p0 =	seq.s32 s10, $0x1;
	s10 =	sld [smem:$0x3FA6];
	_ =	sdelay $0x3  }
0x34: {  	[smem:$0x3FA6] =	sst s10  }
0x35: {  	s10 =	sld [smem:$0x3FA5];
	_ =	sdelay $0x3  }
0x36: {  	p1 =	seq.s32 s10, $0x1;
	s10 =	sld [smem:$0x3FA6];
	_ =	sdelay $0x3  }
0x37: {  	[smem:$0x3FA6] =	sst s10  }
0x38: {  	s10 =	sld [smem:$0x3FA7]  }
0x39: {  	_ = 	snop;
	(pc) =	sbr.ind lr, $3  }
0x3a: {  	_ = 	snop  }
0x3b: {  	_ = 	snop  }
0x3c: {  	p2 =	seq.s32 s10, $0x1;
	s10 =	sld [smem:$0x3FA6]  }
0x3d: {  	_ =	shalt  }
0x3e: {  	_ =	shalt  }
0x3f: {  	_ =	shalt  }
0x40: {  	_ =	shalt  }
0x41: {  	_ =	shalt  }
0x42: {  	_ =	shalt  }
0x43: {  	_ =	shalt  }
0x44: {  	_ =	shalt  }
0x45: {  	_ =	shalt  }
0x46: {  	_ =	shalt  }
0x47: {  	_ =	shalt  }
0x48: {  	_ =	shalt  }
0x49: {  	_ =	shalt  }
0x4a: {  	_ =	shalt  }
0x4b: {  	_ =	shalt  }
0x4c: {  	_ =	shalt  }
0x4d: {  	_ =	shalt  }
0x4e: {  	_ =	shalt  }
0x4f: {  	_ =	shalt  }
0x50: {  	_ =	shalt  }
0x51: {  	_ =	shalt  }
0x52: {  	_ =	shalt  }
0x53: {  	_ =	shalt  }
0x54: {  	_ =	shalt  }
0x55: {  	_ =	shalt  }
0x56: {  	_ =	shalt  }
0x57: {  	_ =	shalt  }
0x58: {  	_ =	shalt  }
0x59: {  	_ =	shalt  }
0x5a: {  	_ =	shalt  }
0x5b: {  	_ =	shalt  }
0x5c: {  	_ =	shalt  }
0x5d: {  	_ =	shalt  }
0x5e: {  	_ =	shalt  }
0x5f: {  	_ =	shalt  }
0x60: {  	_ =	shalt  }
0x61: {  	_ =	shalt  }
0x62: {  	_ =	shalt  }
0x63: {  	_ =	shalt  }
0x64: {  	_ =	shalt  }
0x65: {  	_ =	shalt  }
0x66: {  	_ =	shalt  }
0x67: {  	_ =	shalt  }
0x68: {  	_ =	shalt  }
0x69: {  	_ =	shalt  }
0x6a: {  	_ =	shalt  }
0x6b: {  	_ =	shalt  }
0x6c: {  	_ =	shalt  }
0x6d: {  	_ =	shalt  }
0x6e: {  	_ =	shalt  }
0x6f: {  	_ =	shalt  }
0x70: {  	_ =	shalt  }
0x71: {  	_ =	shalt  }
0x72: {  	_ =	shalt  }
0x73: {  	_ =	shalt  }
0x74: {  	_ =	shalt  }
0x75: {  	_ =	shalt  }
0x76: {  	_ =	shalt  }
0x77: {  	_ =	shalt  }
0x78: {  	_ =	shalt  }
0x79: {  	_ =	shalt  }
0x7a: {  	_ =	shalt  }
0x7b: {  	_ =	shalt  }
0x7c: {  	_ =	shalt  }
0x7d: {  	_ =	shalt  }
0x7e: {  	_ =	shalt  }
0x7f: {  	_ =	shalt  }
0x80: {  	_ =	shalt  }
0x81: {  	_ =	shalt  }
0x82: {  	_ =	shalt  }
0x83: {  	_ =	shalt  }
0x84: {  	_ =	shalt  }
0x85: {  	_ =	shalt  }
0x86: {  	_ =	shalt  }
0x87: {  	_ =	shalt  }
.Lfunc_end0:
.L_simem_size_0:
called_computation.1_lowered:
.L_overlay_start_0:
0x88: {  	s2 =	sld [smem:$0x3FD9]  }
0x89: {  	s3 =	sld [smem:$0x3FFE];
	_ =	sdelay $0x1  }
0x8a: {  	s1 =	srdreg.scid  }
0x8b: {  	s0 =	sand.u32 $0x1, s1  }
0x8c: {  	s17 =	sshll.u32 s0, $0xA;
	s2 =	sadd.s32 s3, s2  }
0x8d: {  	s2 =	sadd.s32 s2, s17  }
0x8e: {  	[smem:$0x3FB2] =	sst s2  }
0x8f: {  	_ = 	snop  }
0x90: {  	(tm) =	ssettm $0x1  }
0x91: {  	s18 =	sld [smem:$0x3FFB];
	_ =	sdelay $0x3  }
0x92: {  	_ =	strace s18  }
0x93: {  	s2 =	sld [smem:$0x3FFC];
	_ =	sdelay $0x3  }
0x94: {  	_ =	strace s2  }
0x95: {  	s2 =	sld [smem:$0x3FFD];
	_ =	sdelay $0x3  }
0x96: {  	_ =	strace s2  }
0x97: {  	_ =	strace $0x8FFFFFFF  }
0x98: {  	s19 =	sld [smem:$0x3FDB];
	_ =	sdelay $0x1  }
0x99: {  	s20 =	simm.s32 $_scs_section_size  }
0x9a: {  	s4 =	simm.s32 $_size__tile_overlayer_lowered;
	s5 =	simm.s32 $_tile_overlayer_lowered  }
0x9b: {  	s6 =	simm.s32 $0x1BFF;
	s21 =	sshll.u32 s5, $0x1;
	s3 =	sadd.s32 s20, s19  }
0x9c: {  	s22 =	simm.s32 $0x0;
	s4 =	sshll.u32 s4, $0x1;
	s5 =	sadd.s32 s21, s3  }
0x9d: {  	[timem:s22], [sflag:s6] =	dma.local [hbm:s5], s4  }
0x9e: {  	_ =	swait.ge [sflag:s6], s4  }
0x9f: {  	s4 =	ssub.s32 $0x0, s4;
	[sflag:s6] =	ssyncset.done $0x0  }
0xa0: {  	[sflag:s6] =	ssyncadd.s32 s4;
	_ =	sdelay $0x1  }
0xa1: {  	s23 =	simm.s32 $0x1B8B  }
0xa2: {  	_ =	swait.ge [sflag:s23], $0x1  }
0xa3: {  	[sflag:s23] =	ssyncset.done $0x0  }
0xa4: {  	[sflag:s23] =	ssyncadd.s32 $0xFFFFFFFF  }
0xa5: {  	s4 =	sld [smem:$0x0]  }
0xa6: {  	s5 =	sand.u32 $0xFFFFFFFE, s1  }
0xa7: {  	p0 =	sne.s32 s1, s5  }
0xa8: {  	s5 =	sshll.u32 @p0 s5, $0xE  }
0xa9: {  	s5 =	sadd.s32 @p0 $0x11B8D, s5;
	s6 =	sshll.u32 @p0 s4, $0x11  }
0xaa: {  	s5 =	sor.u32 @p0 s6, s5  }
0xab: {  	[sflag:s5] =	ssyncadd.remote.s32 @p0 $0x1;
	_ =	sdelay $0x1  }
0xac: {  	s5 =	simm.s32 @p0 $0x1B8D  }
0xad: {  	_ =	swait.eq @p0 [sflag:s5], $0x1  }
0xae: {  	[sflag:s5] =	ssyncadd.s32 @p0 $0xFFFFFFFF  }
0xaf: {  	s6 =	sshll.u32 @!p0 s1, $0xE  }
0xb0: {  	s6 =	sor.u32 @!p0 $0x4000, s6;
	s5 =	simm.s32 @!p0 $0x1B8D  }
0xb1: {  	s4 =	sshll.u32 @!p0 s4, $0x11;
	s6 =	sadd.s32 @!p0 $0x11B8D, s6;
	_ =	swait.eq @!p0 [sflag:s5], $0x1  }
0xb2: {  	s4 =	sor.u32 @!p0 s4, s6;
	[sflag:s5] =	ssyncadd.s32 @!p0 $0xFFFFFFFF  }
0xb3: {  	s25 =	simm.s32 $0x1B8E;
	s24 =	sld [smem:$0x3FFE];
	[sflag:s4] =	ssyncadd.remote.s32 @!p0 $0x1  }
0xb4: {  	s26 =	simm.s32 $execute0_lowered;
	[smem:$0x3FD2] =	sst s25  }
0xb5: {  	s5 =	sshll.u32 s26, $0x1;
	_ =	strace $0x8000004C;
	[dreg:$0x1] =	wrdreg $0xFFFFFFFF  }
0xb6: {  	s28 =	simm.s32 $_size_execute0_lowered;
	s3 =	sadd.s32 s3, s5;
	[dreg:$0x0] =	wrdreg $0x0  }
0xb7: {  	s5 =	sshll.u32 s28, $0x1;
	[dreg:$0x2] =	wrdreg s3  }
0xb8: {  	[dreg:$0x3] =	wrdreg s5  }
0xb9: {  	[dreg:$0x4] =	wrdreg $0xC0  }
0xba: {  	_ =	task [dreg:s22], $0x5FFFF  }
0xbb: {  	[dreg:$0x1] =	wrdreg $0xFFFFFFFF  }
0xbc: {  	[dreg:$0x0] =	wrdreg $0x60  }
0xbd: {  	[dreg:$0x2] =	wrdreg s24  }
0xbe: {  	[dreg:$0x3] =	wrdreg $0x0  }
0xbf: {  	[dreg:$0x4] =	wrdreg $0x9  }
0xc0: {  	_ =	task.clear_ibuf [dreg:s22], $0x5FFFF;
	_ =	strace $0x9000004C  }
0xc1: {  	s29 =	simm.s32 $0x9;
	_ =	strace $0x8000004E  }
0xc2: {  	_ =	swait.ge [sflag:s29], $0x1  }
0xc3: {  	[sflag:s29] =	ssyncadd.s32 $0xFFFFFFFF  }
0xc4: {  	_ =	strace $0x9000004E  }
0xc5: {  	_ =	sfence  }
0xc6: {  	s30 =	sld [smem:$0x0];
	_ =	sdelay $0x2  }
0xc7: {  	s31 =	sshll.u32 s1, $0xD;
	s1 =	sshrl.u32 s1, $0x2  }
0xc8: {  	s4 =	sand.u32 $0x4000, s31;
	s1 =	sadd.s32 s1, s30  }
0xc9: {  	s0 =	sor.u32 s4, s0;
	s1 =	sshll.u32 s1, $0x11  }
0xca: {  	s0 =	sor.u32 s1, s0  }
0xcb: {  	s0 =	sadd.s32 $0x8F2B, s0  }
0xcc: {  	[sflag:s0] =	ssyncadd.remote.s32 $0x1  }
0xcd: {  	_ =	sfence.sel $0xFFFF  }
0xce: {  	[dreg:$0x0] =	wrdreg $0xFFFFFFFF;
	(pc) =	sbr.abs _section_cstart, $3  }
0xcf: {  	[dreg:$0x1] =	wrdreg $0xFFFFFFFF  }
0xd0: {  	_ =	task.clear_ibuf [dreg:s22], $0x2FFFF;
	_ =	strace $0x9FFFFFFF  }
0xd1: {  	(tm) =	ssettm $0x7FFFFFFF  }
tec
execute0_lowered:
.L_overlay_start_1:
0x0: {  	(tag) =	ssettag $0x1  }
0x1: {  	s6 =	rddreg [dreg:$0x0]  }
0x2: {  	s0 =	stileid.u32;
	s1 =	srdreg.scid  }
0x3: {  	s2 =	rddreg [dreg:$0x1];
	s3 =	simm.s32 $0x0;
	s13 =	simm.s32 $0x14000  }
0x4: {  	s14 =	simm.s32 $0x14080;
	s15 =	simm.s32 $0x80;
	s16 =	simm.s32 $0x14200  }
0x5: {  	s17 =	simm.s32 $0x14100;
	s18 =	simm.s32 $0x14180;
	s19 =	simm.s32 $0x1  }
0x6: {  	s20 =	simm.s32 $0x18200;
	s21 =	simm.s32 $0x2;
	s23 =	simm.s32 $0x4  }
0x7: {  	s5 =	smul.u32 $0x9E0, s0;
	s7 =	sand.u32 $0x1, s1;
	s1 =	rddreg [dreg:$0x2]  }
0x8: {  	s24 =	simm.s32 $0x0;
	[smem:$0x7FF] =	sst s3;
	s9 =	smul.u32 $0x14000, s0  }
0x9: {  	s4 =	sadd.s32 $0xE2000, s6;
	s11 =	smul.u32 $0x50000, s0;
	s31 =	sshll.u32 s0, $0x6  }
0xa: {  	s8 =	smul.u32 $0x140000, s7;
	_ =	strace $0x8000004D;
	s28 =	ssub.s32 $0x2, s7  }
0xb: {  	s22 =	smul.u32 $0x2800, s7;
	s10 =	sadd.s32 s5, s6;
	s5 =	sadd.s32 $0x8F800, s6  }
0xc: {  	s29 =	sshrl.u32 s28, $0x1;
	s30 =	sshrl.u32 s11, $0x2;
	s26 =	sadd.s32 s9, s8  }
0xd: {  	s9 =	ssub.s32 s28, s29;
	s12 =	sadd.s32 s30, s2;
	s8 =	sshrl.u32 s26, $0x3  }
0xe: {  	v0 =	vmov s22;
	s22 =	simm.s32 $0x3;
	s11 =	sshrl.u32 s12, $0x3;
	s8 =	sadd.s32 s8, s6  }
0xf: {  	s12 =	simm.s32 $0x5;
	s6 =	sor.u32 $0x1C05, s31;
	s7 =	sadd.s32 $0x182000, s8  }
0x10: {  	s8 =	smax.u32 s9, $0x1;
	s9 =	sadd.s32 $0x3C00, s10;
	s10 =	sadd.s32 $0xDA00, s10  }
.LBB2_1:
0x11: {  	[spmem:s11], [sflag:s6] =	dma.local [hbm:s5], $0x2800  }
0x12: {  	_ =	swait.ge [sflag:s12], $0x2800  }
0x13: {  	[sflag:s12] =	ssyncset.done $0x0  }
0x14: {  	p0 =	por $0x1, $0x1;
	[sflag:s12] =	ssyncadd.s32 $0xFFFFD800  }
0x15: {  	s25 =	simm.s32 @!p0 $0x3;
	[bflag:$0x0] =	sbarrier.arrive $0xFFFF  }
0x16: {  	_ =	swait.ge @!p0 [sflag:s25], $0x4000  }
0x17: {  	[sflag:s25] =	ssyncset.done @!p0 $0x0  }
0x18: {  	s30 =	sadd.s32 $0x0, s9;
	[sflag:s25] =	ssyncadd.s32 @!p0 $0xFFFFC000  }
0x19: {  	[tilespmem:s13], [sflag:$0x5] =	stream.linear.gather [hbm4b:s30+s3], $0x80, $0x38;
	[tilespmem:$0x1C200] =	vst v63  }
0x1a: {  	_ =	swait.ge [sflag:s12], $0x80  }
0x1b: {  	[sflag:s12] =	ssyncset.done $0x0  }
0x1c: {  	s26 =	sadd.s32 $0x0, s10;
	[sflag:s12] =	ssyncadd.s32 $0xFFFFFF80  }
0x1d: {  	[tilespmem:s14], [sflag:$0x5] =	stream.linear.gather [hbm4b:s26+s3], $0x80, $0x38;
	[tilespmem:$0x1C200] =	vst v63  }
0x1e: {  	_ =	swait.ge [sflag:s12], $0x80  }
0x1f: {  	[sflag:s12] =	ssyncset.done $0x0  }
0x20: {  	[sflag:s12] =	ssyncadd.s32 $0xFFFFFF80  }
0x21: {  	v1 =	vld [tilespmem:$0x14050]  }
0x22: {  	v2 =	vld [tilespmem:$0x14060]  }
0x23: {  	v3 =	vld [tilespmem:$0x14070]  }
0x24: {  	v4 =	vld [tilespmem:$0x14040]  }
0x25: {  	v5 =	vld [tilespmem:$0x14020]  }
0x26: {  	v6 =	vld [tilespmem:$0x14010];
	v1 =	vadd.s32 v0, v1  }
0x27: {  	v7 =	vld [tilespmem:$0x14030];
	[tilespmem:$0x14050] =	vst v1;
	v1 =	vadd.s32 v0, v2  }
0x28: {  	v2 =	vld [tilespmem:$0x14000];
	[tilespmem:$0x14060] =	vst v1;
	v1 =	vadd.s32 v0, v3  }
0x29: {  	v3 =	vadd.s32 v0, v4;
	[tilespmem:$0x14070] =	vst v1  }
0x2a: {  	v1 =	vadd.s32 v0, v5;
	[tilespmem:$0x14040] =	vst v3  }
0x2b: {  	v3 =	vadd.s32 v0, v6;
	[tilespmem:$0x14020] =	vst v1  }
0x2c: {  	[tilespmem:$0x14010] =	vst v3;
	v1 =	vadd.s32 v0, v7  }
0x2d: {  	[tilespmem:$0x14030] =	vst v1;
	v2 =	vadd.s32 v0, v2  }
0x2e: {  	s28 =	simm.s32 @!p0 $0x4;
	[tilespmem:$0x14000] =	vst v2  }
0x2f: {  	[tilespmem:s16], [sflag:$0x1] =	stream.indirect.gather [hbm4b:s4+s15], $0x80, s13, s15, $0xb8;
	[tilespmem:$0x1C200] =	vst v63  }
0x30: {  	_ =	swait.ge @!p0 [sflag:s28], $0x4000  }
0x31: {  	[sflag:s28] =	ssyncset.done @!p0 $0x0  }
0x32: {  	s25 =	sadd.s32 $0x10, s30;
	[sflag:s28] =	ssyncadd.s32 @!p0 $0xFFFFC000  }
0x33: {  	[tilespmem:s17], [sflag:$0x5] =	stream.linear.gather [hbm4b:s25+s3], $0x80, $0x38;
	[tilespmem:$0x1C200] =	vst v63  }
0x34: {  	_ =	swait.ge [sflag:s12], $0x80  }
0x35: {  	[sflag:s12] =	ssyncset.done $0x0  }
0x36: {  	s31 =	sadd.s32 $0x10, s26;
	[sflag:s12] =	ssyncadd.s32 $0xFFFFFF80  }
0x37: {  	[tilespmem:s18], [sflag:$0x5] =	stream.linear.gather [hbm4b:s31+s3], $0x80, $0x38;
	[tilespmem:$0x1C200] =	vst v63  }
0x38: {  	_ =	swait.ge [sflag:s12], $0x80  }
0x39: {  	[sflag:s12] =	ssyncset.done $0x0  }
0x3a: {  	[sflag:s12] =	ssyncadd.s32 $0xFFFFFF80  }
0x3b: {  	v1 =	vld [tilespmem:$0x14170]  }
0x3c: {  	v3 =	vld [tilespmem:$0x14110]  }
0x3d: {  	s25 =	simm.s32 $0x20;
	v2 =	vld [tilespmem:$0x14100]  }
.LBB2_2:
0x3e: {  	v4 =	vld [tilespmem:$0x14150];
	s26 =	smov.u32 s25;
	s25 =	sadd.s32 $0x20, s25  }
0x3f: {  	p0 =	sne.s32 s25, $0x9E0;
	v5 =	vld [tilespmem:$0x14140]  }
0x40: {  	v6 =	vld [tilespmem:$0x14160];
	v1 =	vadd.s32 v0, v1  }
0x41: {  	v3 =	vadd.s32 v0, v3;
	v7 =	vld [tilespmem:$0x14120]  }
0x42: {  	v2 =	vadd.s32 v0, v2;
	[tilespmem:$0x14110] =	vst v3;
	v3 =	vld [tilespmem:$0x14130]  }
0x43: {  	[tilespmem:$0x14100] =	vst v2;
	v2 =	vadd.s32 v0, v4  }
0x44: {  	v4 =	vadd.s32 v0, v5;
	[tilespmem:$0x14150] =	vst v2  }
0x45: {  	[tilespmem:$0x14140] =	vst v4;
	v2 =	vadd.s32 v0, v6  }
0x46: {  	v4 =	vadd.s32 v0, v7;
	[tilespmem:$0x14160] =	vst v2  }
0x47: {  	[tilespmem:$0x14120] =	vst v4;
	v2 =	vadd.s32 v0, v3  }
0x48: {  	[tilespmem:$0x14130] =	vst v2  }
0x49: {  	[tilespmem:$0x14170] =	vst v1  }
0x4a: {  	_ =	swait.ge [sflag:s19], $0x4000  }
0x4b: {  	[sflag:s19] =	ssyncset.done $0x0  }
0x4c: {  	[sflag:s19] =	ssyncadd.s32 $0xFFFFC000  }
0x4d: {  	[spmem:s2] =	stream.indirect.scatter.add.f32 [tilespmem:s16], [sflag:$0x3], $0x80, s14, s15, $0xb8;
	[tilespmem:$0x1C200] =	vst v63  }
0x4e: {  	_ = 	snop  }
0x4f: {  	[tilespmem:s20], [sflag:$0x2] =	stream.indirect.gather [hbm4b:s4+s15], $0x80, s17, s15, $0xb8;
	[tilespmem:$0x1C200] =	vst v63  }
0x50: {  	_ =	swait.ge [sflag:s21], $0x4000  }
0x51: {  	p1 =	seq.s32 s26, $0x0;
	[sflag:s21] =	ssyncset.done $0x0  }
0x52: {  	s28 =	simm.s32 @!p1 $0x3;
	[sflag:s21] =	ssyncadd.s32 $0xFFFFC000  }
0x53: {  	[spmem:s2] =	stream.indirect.scatter.add.f32 [tilespmem:s20], [sflag:$0x4], $0x80, s18, s15, $0xb8;
	[tilespmem:$0x1C200] =	vst v63  }
0x54: {  	_ =	swait.ge @!p1 [sflag:s28], $0x4000  }
0x55: {  	[sflag:s28] =	ssyncset.done @!p1 $0x0  }
0x56: {  	[sflag:s28] =	ssyncadd.s32 @!p1 $0xFFFFC000;
	s28 =	sadd.s32 s26, s9  }
0x57: {  	[tilespmem:s13], [sflag:$0x5] =	stream.linear.gather [hbm4b:s28+s3], $0x80, $0x38;
	[tilespmem:$0x1C200] =	vst v63  }
0x58: {  	_ =	swait.ge [sflag:s12], $0x80  }
0x59: {  	[sflag:s12] =	ssyncset.done $0x0  }
0x5a: {  	s26 =	sadd.s32 s26, s10;
	[sflag:s12] =	ssyncadd.s32 $0xFFFFFF80  }
0x5b: {  	[tilespmem:s14], [sflag:$0x5] =	stream.linear.gather [hbm4b:s26+s3], $0x80, $0x38;
	[tilespmem:$0x1C200] =	vst v63  }
0x5c: {  	_ =	swait.ge [sflag:s12], $0x80  }
0x5d: {  	[sflag:s12] =	ssyncset.done $0x0  }
0x5e: {  	[sflag:s12] =	ssyncadd.s32 $0xFFFFFF80  }
0x5f: {  	v1 =	vld [tilespmem:$0x14050]  }
0x60: {  	v2 =	vld [tilespmem:$0x14060]  }
0x61: {  	v3 =	vld [tilespmem:$0x14070]  }
0x62: {  	v4 =	vld [tilespmem:$0x14040]  }
0x63: {  	v5 =	vld [tilespmem:$0x14020]  }
0x64: {  	v6 =	vld [tilespmem:$0x14010];
	v1 =	vadd.s32 v0, v1  }
0x65: {  	v7 =	vld [tilespmem:$0x14030];
	[tilespmem:$0x14050] =	vst v1;
	v1 =	vadd.s32 v0, v2  }
0x66: {  	v2 =	vld [tilespmem:$0x14000];
	[tilespmem:$0x14060] =	vst v1;
	v1 =	vadd.s32 v0, v3  }
0x67: {  	v3 =	vadd.s32 v0, v4;
	[tilespmem:$0x14070] =	vst v1  }
0x68: {  	v1 =	vadd.s32 v0, v5;
	[tilespmem:$0x14040] =	vst v3  }
0x69: {  	v3 =	vadd.s32 v0, v6;
	[tilespmem:$0x14020] =	vst v1  }
0x6a: {  	[tilespmem:$0x14010] =	vst v3;
	v1 =	vadd.s32 v0, v7  }
0x6b: {  	v2 =	vadd.s32 v0, v2;
	[tilespmem:$0x14030] =	vst v1  }
0x6c: {  	s29 =	simm.s32 @!p1 $0x4;
	[tilespmem:$0x14000] =	vst v2  }
0x6d: {  	[tilespmem:s16], [sflag:$0x1] =	stream.indirect.gather [hbm4b:s4+s15], $0x80, s13, s15, $0xb8;
	[tilespmem:$0x1C200] =	vst v63  }
0x6e: {  	_ =	swait.ge @!p1 [sflag:s29], $0x4000  }
0x6f: {  	[sflag:s29] =	ssyncset.done @!p1 $0x0  }
0x70: {  	s28 =	sadd.s32 $0x10, s28;
	[sflag:s29] =	ssyncadd.s32 @!p1 $0xFFFFC000  }
0x71: {  	[tilespmem:s17], [sflag:$0x5] =	stream.linear.gather [hbm4b:s28+s3], $0x80, $0x38;
	[tilespmem:$0x1C200] =	vst v63  }
0x72: {  	_ =	swait.ge [sflag:s12], $0x80  }
0x73: {  	[sflag:s12] =	ssyncset.done $0x0  }
0x74: {  	s26 =	sadd.s32 $0x10, s26;
	[sflag:s12] =	ssyncadd.s32 $0xFFFFFF80  }
0x75: {  	[tilespmem:s18], [sflag:$0x5] =	stream.linear.gather [hbm4b:s26+s3], $0x80, $0x38;
	[tilespmem:$0x1C200] =	vst v63  }
0x76: {  	_ =	swait.ge [sflag:s12], $0x80  }
.Ltmp0:
0x77: {  	[sflag:s12] =	ssyncset.done $0x0;
	(pc) =	sbr.rel @p0 .LBB2_2-.Ltmp0, $4  }
0x78: {  	[sflag:s12] =	ssyncadd.s32 $0xFFFFFF80  }
0x79: {  	v1 =	vld [tilespmem:$0x14170]  }
0x7a: {  	v3 =	vld [tilespmem:$0x14110]  }
0x7b: {  	v2 =	vld [tilespmem:$0x14100]  }
0x7c: {  	v4 =	vld [tilespmem:$0x14150]  }
0x7d: {  	v5 =	vld [tilespmem:$0x14140]  }
0x7e: {  	v7 =	vld [tilespmem:$0x14120];
	v1 =	vadd.s32 v0, v1  }
0x7f: {  	v6 =	vld [tilespmem:$0x14160];
	v3 =	vadd.s32 v0, v3;
	[tilespmem:$0x14170] =	vst v1  }
0x80: {  	v2 =	vadd.s32 v0, v2;
	[tilespmem:$0x14110] =	vst v3;
	v3 =	vld [tilespmem:$0x14130]  }
0x81: {  	[tilespmem:$0x14100] =	vst v2;
	v2 =	vadd.s32 v0, v4  }
0x82: {  	v62 =	vadd.s32 v0, v5;
	[tilespmem:$0x14150] =	vst v2  }
0x83: {  	v63 =	vadd.s32 v0, v7;
	[tilespmem:$0x14140] =	vst v62  }
0x84: {  	v2 =	vadd.s32 v0, v6;
	[tilespmem:$0x14120] =	vst v63  }
0x85: {  	[tilespmem:$0x14160] =	vst v2;
	v2 =	vadd.s32 v0, v3  }
0x86: {  	[tilespmem:$0x14130] =	vst v2  }
0x87: {  	_ =	swait.ge [sflag:s19], $0x4000  }
0x88: {  	[sflag:s19] =	ssyncset.done $0x0  }
0x89: {  	[sflag:s19] =	ssyncadd.s32 $0xFFFFC000  }
0x8a: {  	[spmem:s2] =	stream.indirect.scatter.add.f32 [tilespmem:s16], [sflag:$0x3], $0x80, s14, s15, $0xb8;
	[tilespmem:$0x1C200] =	vst v63  }
0x8b: {  	_ = 	snop  }
0x8c: {  	[tilespmem:s20], [sflag:$0x2] =	stream.indirect.gather [hbm4b:s4+s15], $0x80, s17, s15, $0xb8;
	[tilespmem:$0x1C200] =	vst v63  }
0x8d: {  	_ =	swait.ge [sflag:s21], $0x4000  }
0x8e: {  	[sflag:s21] =	ssyncset.done $0x0  }
0x8f: {  	[sflag:s21] =	ssyncadd.s32 $0xFFFFC000  }
0x90: {  	[spmem:s2] =	stream.indirect.scatter.add.f32 [tilespmem:s20], [sflag:$0x4], $0x80, s18, s15, $0xb8;
	[tilespmem:$0x1C200] =	vst v63  }
0x91: {  	_ =	swait.ge [sflag:s22], $0x4000  }
0x92: {  	[sflag:s22] =	ssyncset.done $0x0  }
0x93: {  	[sflag:s22] =	ssyncadd.s32 $0xFFFFC000  }
0x94: {  	_ =	swait.ge [sflag:s23], $0x4000  }
0x95: {  	s24 =	sadd.s32 $0x1, s24;
	[sflag:s23] =	ssyncset.done $0x0  }
0x96: {  	p0 =	sne.s32 s24, s8;
	[sflag:s23] =	ssyncadd.s32 $0xFFFFC000  }
.Ltmp1:
0x97: {  	[bflag:$0x0] =	sbarrier.arrive $0xFFFF;
	(pc) =	sbr.rel @p0 .LBB2_1-.Ltmp1, $4  }
0x98: {  	[hbm:s7], [sflag:s6] =	dma.local [spmem:s11], $0x2800  }
0x99: {  	_ =	swait.ge [sflag:s12], $0x2800  }
0x9a: {  	[sflag:s12] =	ssyncset.done $0x0  }
0x9b: {  	[sflag:s12] =	ssyncadd.s32 $0xFFFFD800  }
0x9c: {  	_ =	sfence.sel $0x180000  }
0x9d: {  	[bflag:$0x0] =	sbarrier.arrive $0xFFFF  }
0x9e: {  	p0 =	sne.s32 s0, $0x0;
	_ =	strace $0x9000004D  }
0x9f: {  	s0 =	sadd.s32 @!p0 $0x100000, s1;
	[bflag:$0x2] =	sbarrier.arrive $0xFFFF  }
0xa0: {  	[sflag:s0] =	ssyncadd.tile.s32 @!p0 $0x1;
	_ =	shalt  }
.Lfunc_end2:
_tile_overlayer_lowered:
.L_overlay_start_2:
0xa1: {  	(tag) =	ssettag $0x2  }
0xa2: {  	s0 =	rddreg [dreg:$0x0];
	s2 =	stileid.u32  }
0xa3: {  	s1 =	rddreg [dreg:$0x1];
	p0 =	sne.s32 s2, $0x0  }
0xa4: {  	s3 =	rddreg [dreg:$0x2];
	[bflag:$0x3] =	sbarrier.arrive $0xFFFF;
	s2 =	simm.s32 @!p0 $0x1C05  }
0xa5: {  	[timem:s3], [sflag:s2] =	dma.local @!p0 [hbm:s0], s1  }
0xa6: {  	s0 =	simm.s32 @!p0 $0x5  }
0xa7: {  	_ =	swait.ge @!p0 [sflag:s0], s1  }
0xa8: {  	s1 =	ssub.s32 @!p0 $0x0, s1;
	[sflag:s0] =	ssyncset.done @!p0 $0x0  }
0xa9: {  	[sflag:s0] =	ssyncadd.s32 @!p0 s1  }
0xaa: {  	[bflag:$0x3] =	sbarrier.arrive $0xFFFF  }
0xab: {  	_ =	shalt  }

// kernel: kernel.15.cloned.1.call-start
scs
__scs_entry_jumppad:
0x0: {  	(pc) =	sbr.rel $0x88, $3  }
0x1: {  	(tag) =	ssettag $0x0;
	lr =	simm.s32 $0x1  }
0x2: {  	[smem:$0x3F8B] =	sst lr;
	_ =	strace $0xD0000000  }
0x3: {  	_ = 	snop  }
0x4: {  	_ = 	snop  }
0x5: {  	_ = 	snop  }
0x6: {  	_ = 	snop  }
0x7: {  	_ = 	snop  }
__scs_overlays_trampoline_lowered:
0x8: {  	[smem:$0x3F9A] =	sst s0  }
0x9: {  	[smem:$0x3F9B] =	sst s1  }
0xa: {  	[smem:$0x3F9C] =	sst s2  }
0xb: {  	[smem:$0x3F9D] =	sst s3  }
0xc: {  	[smem:$0x3F9E] =	sst s4  }
0xd: {  	[smem:$0x3F9F] =	sst s5  }
0xe: {  	[smem:$0x3FA0] =	sst s6  }
0xf: {  	[smem:$0x3FA1] =	sst s7  }
0x10: {  	[smem:$0x3FA2] =	sst s8  }
0x11: {  	[smem:$0x3FA3] =	sst s9;
	s0 =	simm.s32 @!p0 $0x0  }
0x12: {  	s1 =	sld [smem:$0x3F89];
	s0 =	simm.s32 @p0 $0x1  }
0x13: {  	[smem:$0x3FA4] =	sst s0;
	s0 =	simm.s32 @!p1 $0x0  }
0x14: {  	s2 =	sld [smem:$0x3F88];
	s0 =	simm.s32 @p1 $0x1  }
0x15: {  	[smem:$0x3FA5] =	sst s0;
	s0 =	simm.s32 @!p2 $0x0  }
0x16: {  	s3 =	sld [smem:$0x3FDB];
	s0 =	simm.s32 @p2 $0x1  }
0x17: {  	s4 =	simm.s32 $0x1BF5;
	[smem:$0x3FA7] =	sst s0  }
0x18: {  	s0 =	sld [smem:$0x3F8A];
	_ =	swait.ge [sflag:s4], $0x0  }
0x19: {  	s7 =	sld [smem:$0x3F8B]  }
0x1a: {  	s8 =	sadd.s32 $0xFFFFE003, lr  }
0x1b: {  	s9 =	sadd.s32 $0xFFFFFEF7, lr;
	s5 =	simm.s32 $0xFFFFFFFF;
	p2 =	slt.u32 s8, $0xFFFFF086  }
0x1c: {  	p1 =	slt.u32 s9, $0xF7A;
	s5 =	simm.s32 @!p2 $0x0  }
0x1d: {  	s5 =	simm.s32 @p1 $0x1;
	p0 =	seq.s32 s7, s2  }
0x1e: {  	s7 =	smul.u32 @!p0 $0xF7A, s2;
	p2 =	seq.s32 @!p0 s5, $0x0  }
0x1f: {  	s9 =	smul.u32 $0xF7A, s1;
	s8 =	simm.s32 @!p0 $0x1BF5;
	p2 =	por !p2, p0  }
0x20: {  	[sflag:s8] =	ssyncset.s32 @!p0 $0xFFFFF086;
	s6 =	sadd.s32 @!p0 s3, s7;
	s7 =	simm.s32 @!p0 $0x108  }
0x21: {  	s3 =	sadd.s32 s3, s9;
	s6 =	sadd.s32 @!p0 $0x88, s6;
	s7 =	simm.s32 @p2 $0x1082  }
0x22: {  	[simem:s7], [sflag:s8] =	dma.local @!p0 [hbm:s6], $0xF7A  }
0x23: {  	s9 =	sor.u32 $0xD0000000, s2;
	s6 =	simm.s32 $0x108;
	_ =	swait.ge @!p0 [sflag:s8], $0x0  }
0x24: {  	s3 =	sadd.s32 $0x88, s3;
	s6 =	simm.s32 @!p1 $0x1082;
	[sflag:s4] =	ssyncset.s32 $0xFFFFF086  }
0x25: {  	[simem:s6], [sflag:s4] =	dma.local [hbm:s3], $0xF7A  }
0x26: {  	[smem:$0x3F8B] =	sst s1;
	(tag) =	ssettag s2;
	_ =	strace s9  }
0x27: {  	s1 =	sld [smem:$0x3F9B]  }
0x28: {  	s2 =	sld [smem:$0x3F9C]  }
0x29: {  	s4 =	sld [smem:$0x3F9E]  }
0x2a: {  	p0 =	seq.s32 s5, $0x0;
	s5 =	sld [smem:$0x3F9F]  }
0x2b: {  	s6 =	sld [smem:$0x3FA0]  }
0x2c: {  	s7 =	sld [smem:$0x3FA1]  }
0x2d: {  	s3 =	simm.s32 $0x108;
	s8 =	sld [smem:$0x3FA2]  }
0x2e: {  	s3 =	simm.s32 @!p0 $0x1082;
	s9 =	sld [smem:$0x3FA3]  }
0x2f: {  	lr =	sadd.s32 s0, s3;
	s0 =	sld [smem:$0x3F9A]  }
0x30: {  	s3 =	sld [smem:$0x3F9D]  }
0x31: {  	[smem:$0x3FA6] =	sst s10  }
0x32: {  	s10 =	sld [smem:$0x3FA4];
	_ =	sdelay $0x3  }
0x33: {  	p0 =	seq.s32 s10, $0x1;
	s10 =	sld [smem:$0x3FA6];
	_ =	sdelay $0x3  }
0x34: {  	[smem:$0x3FA6] =	sst s10  }
0x35: {  	s10 =	sld [smem:$0x3FA5];
	_ =	sdelay $0x3  }
0x36: {  	p1 =	seq.s32 s10, $0x1;
	s10 =	sld [smem:$0x3FA6];
	_ =	sdelay $0x3  }
0x37: {  	[smem:$0x3FA6] =	sst s10  }
0x38: {  	s10 =	sld [smem:$0x3FA7]  }
0x39: {  	_ = 	snop;
	(pc) =	sbr.ind lr, $3  }
0x3a: {  	_ = 	snop  }
0x3b: {  	_ = 	snop  }
0x3c: {  	p2 =	seq.s32 s10, $0x1;
	s10 =	sld [smem:$0x3FA6]  }
0x3d: {  	_ =	shalt  }
0x3e: {  	_ =	shalt  }
0x3f: {  	_ =	shalt  }
0x40: {  	_ =	shalt  }
0x41: {  	_ =	shalt  }
0x42: {  	_ =	shalt  }
0x43: {  	_ =	shalt  }
0x44: {  	_ =	shalt  }
0x45: {  	_ =	shalt  }
0x46: {  	_ =	shalt  }
0x47: {  	_ =	shalt  }
0x48: {  	_ =	shalt  }
0x49: {  	_ =	shalt  }
0x4a: {  	_ =	shalt  }
0x4b: {  	_ =	shalt  }
0x4c: {  	_ =	shalt  }
0x4d: {  	_ =	shalt  }
0x4e: {  	_ =	shalt  }
0x4f: {  	_ =	shalt  }
0x50: {  	_ =	shalt  }
0x51: {  	_ =	shalt  }
0x52: {  	_ =	shalt  }
0x53: {  	_ =	shalt  }
0x54: {  	_ =	shalt  }
0x55: {  	_ =	shalt  }
0x56: {  	_ =	shalt  }
0x57: {  	_ =	shalt  }
0x58: {  	_ =	shalt  }
0x59: {  	_ =	shalt  }
0x5a: {  	_ =	shalt  }
0x5b: {  	_ =	shalt  }
0x5c: {  	_ =	shalt  }
0x5d: {  	_ =	shalt  }
0x5e: {  	_ =	shalt  }
0x5f: {  	_ =	shalt  }
0x60: {  	_ =	shalt  }
0x61: {  	_ =	shalt  }
0x62: {  	_ =	shalt  }
0x63: {  	_ =	shalt  }
0x64: {  	_ =	shalt  }
0x65: {  	_ =	shalt  }
0x66: {  	_ =	shalt  }
0x67: {  	_ =	shalt  }
0x68: {  	_ =	shalt  }
0x69: {  	_ =	shalt  }
0x6a: {  	_ =	shalt  }
0x6b: {  	_ =	shalt  }
0x6c: {  	_ =	shalt  }
0x6d: {  	_ =	shalt  }
0x6e: {  	_ =	shalt  }
0x6f: {  	_ =	shalt  }
0x70: {  	_ =	shalt  }
0x71: {  	_ =	shalt  }
0x72: {  	_ =	shalt  }
0x73: {  	_ =	shalt  }
0x74: {  	_ =	shalt  }
0x75: {  	_ =	shalt  }
0x76: {  	_ =	shalt  }
0x77: {  	_ =	shalt  }
0x78: {  	_ =	shalt  }
0x79: {  	_ =	shalt  }
0x7a: {  	_ =	shalt  }
0x7b: {  	_ =	shalt  }
0x7c: {  	_ =	shalt  }
0x7d: {  	_ =	shalt  }
0x7e: {  	_ =	shalt  }
0x7f: {  	_ =	shalt  }
0x80: {  	_ =	shalt  }
0x81: {  	_ =	shalt  }
0x82: {  	_ =	shalt  }
0x83: {  	_ =	shalt  }
0x84: {  	_ =	shalt  }
0x85: {  	_ =	shalt  }
0x86: {  	_ =	shalt  }
0x87: {  	_ =	shalt  }
.Lfunc_end0:
.L_simem_size_0:
called_computation.2_lowered:
.L_overlay_start_0:
0x88: {  	s2 =	sld [smem:$0x3FD9]  }
0x89: {  	s3 =	sld [smem:$0x3FFE];
	_ =	sdelay $0x1  }
0x8a: {  	s1 =	srdreg.scid  }
0x8b: {  	s0 =	sand.u32 $0x1, s1  }
0x8c: {  	s16 =	sshll.u32 s0, $0xA;
	s2 =	sadd.s32 s3, s2  }
0x8d: {  	s2 =	sadd.s32 s2, s16  }
0x8e: {  	[smem:$0x3FB2] =	sst s2  }
0x8f: {  	_ = 	snop  }
0x90: {  	(tm) =	ssettm $0x1  }
0x91: {  	s17 =	sld [smem:$0x3FFB];
	_ =	sdelay $0x3  }
0x92: {  	_ =	strace s17  }
0x93: {  	s2 =	sld [smem:$0x3FFC];
	_ =	sdelay $0x3  }
0x94: {  	_ =	strace s2  }
0x95: {  	s2 =	sld [smem:$0x3FFD];
	_ =	sdelay $0x3  }
0x96: {  	_ =	strace s2  }
0x97: {  	_ =	strace $0x8FFFFFFF  }
0x98: {  	s18 =	sld [smem:$0x3FDB];
	_ =	sdelay $0x1  }
0x99: {  	s19 =	simm.s32 $_scs_section_size  }
0x9a: {  	s4 =	simm.s32 $_size__tile_overlayer_lowered;
	s5 =	simm.s32 $_tile_overlayer_lowered  }
0x9b: {  	s22 =	simm.s32 $0x1BFF;
	s21 =	sshll.u32 s5, $0x1;
	s2 =	sadd.s32 s19, s18  }
0x9c: {  	s6 =	simm.s32 $0x0;
	s20 =	sshll.u32 s4, $0x1;
	s4 =	sadd.s32 s21, s2  }
0x9d: {  	[timem:s6], [sflag:s22] =	dma.local [hbm:s4], s20  }
0x9e: {  	_ =	swait.ge [sflag:s22], s20  }
0x9f: {  	s3 =	ssub.s32 $0x0, s20;
	[sflag:s22] =	ssyncset.done $0x0  }
0xa0: {  	[sflag:s22] =	ssyncadd.s32 s3;
	_ =	sdelay $0x1  }
0xa1: {  	s23 =	simm.s32 $0x1B8B  }
0xa2: {  	_ =	swait.ge [sflag:s23], $0x1  }
0xa3: {  	[sflag:s23] =	ssyncset.done $0x0  }
0xa4: {  	s25 =	simm.s32 $0x1B8E;
	s24 =	sld [smem:$0x3FFE];
	[sflag:s23] =	ssyncadd.s32 $0xFFFFFFFF  }
0xa5: {  	s26 =	simm.s32 $execute0_lowered;
	[smem:$0x3FD2] =	sst s25  }
0xa6: {  	s4 =	sshll.u32 s26, $0x1;
	_ =	strace $0x80000049;
	[dreg:$0x1] =	wrdreg $0xFFFFFFFF  }
0xa7: {  	s28 =	simm.s32 $_size_execute0_lowered;
	s2 =	sadd.s32 s2, s4;
	[dreg:$0x0] =	wrdreg $0x0  }
0xa8: {  	s4 =	sshll.u32 s28, $0x1;
	[dreg:$0x2] =	wrdreg s2  }
0xa9: {  	[dreg:$0x3] =	wrdreg s4  }
0xaa: {  	[dreg:$0x4] =	wrdreg $0xC0  }
0xab: {  	_ =	task [dreg:s6], $0x5FFFF  }
0xac: {  	[dreg:$0x1] =	wrdreg $0xFFFFFFFF  }
0xad: {  	[dreg:$0x0] =	wrdreg $0x60  }
0xae: {  	[dreg:$0x2] =	wrdreg s24  }
0xaf: {  	[dreg:$0x3] =	wrdreg $0x0  }
0xb0: {  	[dreg:$0x4] =	wrdreg $0xA  }
0xb1: {  	_ =	task.clear_ibuf [dreg:s6], $0x5FFFF;
	_ =	strace $0x90000049  }
0xb2: {  	s29 =	simm.s32 $0xA;
	_ =	strace $0x8000004B  }
0xb3: {  	_ =	swait.ge [sflag:s29], $0x1  }
0xb4: {  	[sflag:s29] =	ssyncadd.s32 $0xFFFFFFFF  }
0xb5: {  	_ =	strace $0x9000004B  }
0xb6: {  	_ =	sfence  }
0xb7: {  	s30 =	sld [smem:$0x0];
	_ =	sdelay $0x2  }
0xb8: {  	s31 =	sshll.u32 s1, $0xD;
	s1 =	sshrl.u32 s1, $0x2  }
0xb9: {  	s3 =	sand.u32 $0x4000, s31;
	s1 =	sadd.s32 s1, s30  }
0xba: {  	s0 =	sor.u32 s3, s0;
	s1 =	sshll.u32 s1, $0x11  }
0xbb: {  	s0 =	sor.u32 s1, s0  }
0xbc: {  	s0 =	sadd.s32 $0x8F2B, s0  }
0xbd: {  	[sflag:s0] =	ssyncadd.remote.s32 $0x1  }
0xbe: {  	_ =	sfence.sel $0xFFFF  }
0xbf: {  	[dreg:$0x0] =	wrdreg $0xFFFFFFFF;
	(pc) =	sbr.abs _section_cstart, $3  }
0xc0: {  	[dreg:$0x1] =	wrdreg $0xFFFFFFFF  }
0xc1: {  	_ =	task.clear_ibuf [dreg:s6], $0x2FFFF;
	_ =	strace $0x9FFFFFFF  }
0xc2: {  	(tm) =	ssettm $0x7FFFFFFF  }
0xc3: {  	_ =	shalt  }
tec
execute0_lowered:
.L_overlay_start_1:
0x0: {  	(tag) =	ssettag $0x1  }
0x1: {  	s6 =	rddreg [dreg:$0x0]  }
0x2: {  	s0 =	stileid.u32;
	s1 =	srdreg.scid  }
0x3: {  	s2 =	rddreg [dreg:$0x1];
	s3 =	simm.s32 $0x0;
	s13 =	simm.s32 $0x14000  }
0x4: {  	s14 =	simm.s32 $0x14080;
	s15 =	simm.s32 $0x80;
	s16 =	simm.s32 $0x14200  }
0x5: {  	s17 =	simm.s32 $0x14100;
	s18 =	simm.s32 $0x14180;
	s19 =	simm.s32 $0x1  }
0x6: {  	s20 =	simm.s32 $0x18200;
	s21 =	simm.s32 $0x2;
	s23 =	simm.s32 $0x4  }
0x7: {  	s5 =	smul.u32 $0x9E0, s0;
	s7 =	sand.u32 $0x1, s1;
	s1 =	rddreg [dreg:$0x2]  }
0x8: {  	s24 =	simm.s32 $0x0;
	[smem:$0x7FF] =	sst s3;
	s9 =	smul.u32 $0x14000, s0  }
0x9: {  	s4 =	sadd.s32 $0x17800, s6;
	s11 =	smul.u32 $0x50000, s0;
	s31 =	sshll.u32 s0, $0x6  }
0xa: {  	s8 =	smul.u32 $0x140000, s7;
	_ =	strace $0x8000004A;
	s28 =	ssub.s32 $0x2, s7  }
0xb: {  	s22 =	smul.u32 $0x2800, s7;
	s10 =	sadd.s32 s5, s6;
	s5 =	sadd.s32 $0x8F800, s6  }
0xc: {  	s29 =	sshrl.u32 s28, $0x1;
	s30 =	sshrl.u32 s11, $0x2;
	s26 =	sadd.s32 s9, s8  }
0xd: {  	s9 =	ssub.s32 s28, s29;
	s12 =	sadd.s32 s30, s2;
	s8 =	sshrl.u32 s26, $0x3  }
0xe: {  	v0 =	vmov s22;
	s22 =	simm.s32 $0x3;
	s11 =	sshrl.u32 s12, $0x3;
	s8 =	sadd.s32 s8, s6  }
0xf: {  	s12 =	simm.s32 $0x5;
	s6 =	sor.u32 $0x1C05, s31;
	s7 =	sadd.s32 $0x132000, s8  }
0x10: {  	s8 =	smax.u32 s9, $0x1;
	s9 =	sadd.s32 $0x3C00, s10;
	s10 =	sadd.s32 $0xDA00, s10  }
.LBB2_1:
0x11: {  	[spmem:s11], [sflag:s6] =	dma.local [hbm:s5], $0x2800  }
0x12: {  	_ =	swait.ge [sflag:s12], $0x2800  }
0x13: {  	[sflag:s12] =	ssyncset.done $0x0  }
0x14: {  	p0 =	por $0x1, $0x1;
	[sflag:s12] =	ssyncadd.s32 $0xFFFFD800  }
0x15: {  	s25 =	simm.s32 @!p0 $0x3;
	[bflag:$0x0] =	sbarrier.arrive $0xFFFF  }
0x16: {  	_ =	swait.ge @!p0 [sflag:s25], $0x4000  }
0x17: {  	[sflag:s25] =	ssyncset.done @!p0 $0x0  }
0x18: {  	s30 =	sadd.s32 $0x0, s9;
	[sflag:s25] =	ssyncadd.s32 @!p0 $0xFFFFC000  }
0x19: {  	[tilespmem:s13], [sflag:$0x5] =	stream.linear.gather [hbm4b:s30+s3], $0x80, $0x38;
	[tilespmem:$0x1C200] =	vst v63  }
0x1a: {  	_ =	swait.ge [sflag:s12], $0x80  }
0x1b: {  	[sflag:s12] =	ssyncset.done $0x0  }
0x1c: {  	s26 =	sadd.s32 $0x0, s10;
	[sflag:s12] =	ssyncadd.s32 $0xFFFFFF80  }
0x1d: {  	[tilespmem:s14], [sflag:$0x5] =	stream.linear.gather [hbm4b:s26+s3], $0x80, $0x38;
	[tilespmem:$0x1C200] =	vst v63  }
0x1e: {  	_ =	swait.ge [sflag:s12], $0x80  }
0x1f: {  	[sflag:s12] =	ssyncset.done $0x0  }
0x20: {  	[sflag:s12] =	ssyncadd.s32 $0xFFFFFF80  }
0x21: {  	v1 =	vld [tilespmem:$0x14050]  }
0x22: {  	v2 =	vld [tilespmem:$0x14060]  }
0x23: {  	v3 =	vld [tilespmem:$0x14070]  }
0x24: {  	v4 =	vld [tilespmem:$0x14040]  }
0x25: {  	v5 =	vld [tilespmem:$0x14020]  }
0x26: {  	v6 =	vld [tilespmem:$0x14010];
	v1 =	vadd.s32 v0, v1  }
0x27: {  	v7 =	vld [tilespmem:$0x14030];
	[tilespmem:$0x14050] =	vst v1;
	v1 =	vadd.s32 v0, v2  }
0x28: {  	v2 =	vld [tilespmem:$0x14000];
	[tilespmem:$0x14060] =	vst v1;
	v1 =	vadd.s32 v0, v3  }
0x29: {  	v3 =	vadd.s32 v0, v4;
	[tilespmem:$0x14070] =	vst v1  }
0x2a: {  	v1 =	vadd.s32 v0, v5;
	[tilespmem:$0x14040] =	vst v3  }
0x2b: {  	v3 =	vadd.s32 v0, v6;
	[tilespmem:$0x14020] =	vst v1  }
0x2c: {  	[tilespmem:$0x14010] =	vst v3;
	v1 =	vadd.s32 v0, v7  }
0x2d: {  	[tilespmem:$0x14030] =	vst v1;
	v2 =	vadd.s32 v0, v2  }
0x2e: {  	s28 =	simm.s32 @!p0 $0x4;
	[tilespmem:$0x14000] =	vst v2  }
0x2f: {  	[tilespmem:s16], [sflag:$0x1] =	stream.indirect.gather [hbm4b:s4+s15], $0x80, s13, s15, $0xb8;
	[tilespmem:$0x1C200] =	vst v63  }
0x30: {  	_ =	swait.ge @!p0 [sflag:s28], $0x4000  }
0x31: {  	[sflag:s28] =	ssyncset.done @!p0 $0x0  }
0x32: {  	s25 =	sadd.s32 $0x10, s30;
	[sflag:s28] =	ssyncadd.s32 @!p0 $0xFFFFC000  }
0x33: {  	[tilespmem:s17], [sflag:$0x5] =	stream.linear.gather [hbm4b:s25+s3], $0x80, $0x38;
	[tilespmem:$0x1C200] =	vst v63  }
0x34: {  	_ =	swait.ge [sflag:s12], $0x80  }
0x35: {  	[sflag:s12] =	ssyncset.done $0x0  }
0x36: {  	s31 =	sadd.s32 $0x10, s26;
	[sflag:s12] =	ssyncadd.s32 $0xFFFFFF80  }
0x37: {  	[tilespmem:s18], [sflag:$0x5] =	stream.linear.gather [hbm4b:s31+s3], $0x80, $0x38;
	[tilespmem:$0x1C200] =	vst v63  }
0x38: {  	_ =	swait.ge [sflag:s12], $0x80  }
0x39: {  	[sflag:s12] =	ssyncset.done $0x0  }
0x3a: {  	[sflag:s12] =	ssyncadd.s32 $0xFFFFFF80  }
0x3b: {  	v1 =	vld [tilespmem:$0x14170]  }
0x3c: {  	v3 =	vld [tilespmem:$0x14110]  }
0x3d: {  	s25 =	simm.s32 $0x20;
	v2 =	vld [tilespmem:$0x14100]  }
.LBB2_2:
0x3e: {  	v4 =	vld [tilespmem:$0x14150];
	s26 =	smov.u32 s25;
	s25 =	sadd.s32 $0x20, s25  }
0x3f: {  	p0 =	sne.s32 s25, $0x9E0;
	v5 =	vld [tilespmem:$0x14140]  }
0x40: {  	v6 =	vld [tilespmem:$0x14160];
	v1 =	vadd.s32 v0, v1  }
0x41: {  	v3 =	vadd.s32 v0, v3;
	v7 =	vld [tilespmem:$0x14120]  }
0x42: {  	v2 =	vadd.s32 v0, v2;
	[tilespmem:$0x14110] =	vst v3;
	v3 =	vld [tilespmem:$0x14130]  }
0x43: {  	[tilespmem:$0x14100] =	vst v2;
	v2 =	vadd.s32 v0, v4  }
0x44: {  	v4 =	vadd.s32 v0, v5;
	[tilespmem:$0x14150] =	vst v2  }
0x45: {  	[tilespmem:$0x14140] =	vst v4;
	v2 =	vadd.s32 v0, v6  }
0x46: {  	v4 =	vadd.s32 v0, v7;
	[tilespmem:$0x14160] =	vst v2  }
0x47: {  	[tilespmem:$0x14120] =	vst v4;
	v2 =	vadd.s32 v0, v3  }
0x48: {  	[tilespmem:$0x14130] =	vst v2  }
0x49: {  	[tilespmem:$0x14170] =	vst v1  }
0x4a: {  	_ =	swait.ge [sflag:s19], $0x4000  }
0x4b: {  	[sflag:s19] =	ssyncset.done $0x0  }
0x4c: {  	[sflag:s19] =	ssyncadd.s32 $0xFFFFC000  }
0x4d: {  	[spmem:s2] =	stream.indirect.scatter.add.f32 [tilespmem:s16], [sflag:$0x3], $0x80, s14, s15, $0xb8;
	[tilespmem:$0x1C200] =	vst v63  }
0x4e: {  	_ = 	snop  }
0x4f: {  	[tilespmem:s20], [sflag:$0x2] =	stream.indirect.gather [hbm4b:s4+s15], $0x80, s17, s15, $0xb8;
	[tilespmem:$0x1C200] =	vst v63  }
0x50: {  	_ =	swait.ge [sflag:s21], $0x4000  }
0x51: {  	p1 =	seq.s32 s26, $0x0;
	[sflag:s21] =	ssyncset.done $0x0  }
0x52: {  	s28 =	simm.s32 @!p1 $0x3;
	[sflag:s21] =	ssyncadd.s32 $0xFFFFC000  }
0x53: {  	[spmem:s2] =	stream.indirect.scatter.add.f32 [tilespmem:s20], [sflag:$0x4], $0x80, s18, s15, $0xb8;
	[tilespmem:$0x1C200] =	vst v63  }
0x54: {  	_ =	swait.ge @!p1 [sflag:s28], $0x4000  }
0x55: {  	[sflag:s28] =	ssyncset.done @!p1 $0x0  }
0x56: {  	[sflag:s28] =	ssyncadd.s32 @!p1 $0xFFFFC000;
	s28 =	sadd.s32 s26, s9  }
0x57: {  	[tilespmem:s13], [sflag:$0x5] =	stream.linear.gather [hbm4b:s28+s3], $0x80, $0x38;
	[tilespmem:$0x1C200] =	vst v63  }
0x58: {  	_ =	swait.ge [sflag:s12], $0x80  }
0x59: {  	[sflag:s12] =	ssyncset.done $0x0  }
0x5a: {  	s26 =	sadd.s32 s26, s10;
	[sflag:s12] =	ssyncadd.s32 $0xFFFFFF80  }
0x5b: {  	[tilespmem:s14], [sflag:$0x5] =	stream.linear.gather [hbm4b:s26+s3], $0x80, $0x38;
	[tilespmem:$0x1C200] =	vst v63  }
0x5c: {  	_ =	swait.ge [sflag:s12], $0x80  }
0x5d: {  	[sflag:s12] =	ssyncset.done $0x0  }
0x5e: {  	[sflag:s12] =	ssyncadd.s32 $0xFFFFFF80  }
0x5f: {  	v1 =	vld [tilespmem:$0x14050]  }
0x60: {  	v2 =	vld [tilespmem:$0x14060]  }
0x61: {  	v3 =	vld [tilespmem:$0x14070]  }
0x62: {  	v4 =	vld [tilespmem:$0x14040]  }
0x63: {  	v5 =	vld [tilespmem:$0x14020]  }
0x64: {  	v6 =	vld [tilespmem:$0x14010];
	v1 =	vadd.s32 v0, v1  }
0x65: {  	v7 =	vld [tilespmem:$0x14030];
	[tilespmem:$0x14050] =	vst v1;
	v1 =	vadd.s32 v0, v2  }
0x66: {  	v2 =	vld [tilespmem:$0x14000];
	[tilespmem:$0x14060] =	vst v1;
	v1 =	vadd.s32 v0, v3  }
0x67: {  	v3 =	vadd.s32 v0, v4;
	[tilespmem:$0x14070] =	vst v1  }
0x68: {  	v1 =	vadd.s32 v0, v5;
	[tilespmem:$0x14040] =	vst v3  }
0x69: {  	v3 =	vadd.s32 v0, v6;
	[tilespmem:$0x14020] =	vst v1  }
0x6a: {  	[tilespmem:$0x14010] =	vst v3;
	v1 =	vadd.s32 v0, v7  }
0x6b: {  	v2 =	vadd.s32 v0, v2;
	[tilespmem:$0x14030] =	vst v1  }
0x6c: {  	s29 =	simm.s32 @!p1 $0x4;
	[tilespmem:$0x14000] =	vst v2  }
0x6d: {  	[tilespmem:s16], [sflag:$0x1] =	stream.indirect.gather [hbm4b:s4+s15], $0x80, s13, s15, $0xb8;
	[tilespmem:$0x1C200] =	vst v63  }
0x6e: {  	_ =	swait.ge @!p1 [sflag:s29], $0x4000  }
0x6f: {  	[sflag:s29] =	ssyncset.done @!p1 $0x0  }
0x70: {  	s28 =	sadd.s32 $0x10, s28;
	[sflag:s29] =	ssyncadd.s32 @!p1 $0xFFFFC000  }
0x71: {  	[tilespmem:s17], [sflag:$0x5] =	stream.linear.gather [hbm4b:s28+s3], $0x80, $0x38;
	[tilespmem:$0x1C200] =	vst v63  }
0x72: {  	_ =	swait.ge [sflag:s12], $0x80  }
0x73: {  	[sflag:s12] =	ssyncset.done $0x0  }
0x74: {  	s26 =	sadd.s32 $0x10, s26;
	[sflag:s12] =	ssyncadd.s32 $0xFFFFFF80  }
0x75: {  	[tilespmem:s18], [sflag:$0x5] =	stream.linear.gather [hbm4b:s26+s3], $0x80, $0x38;
	[tilespmem:$0x1C200] =	vst v63  }
0x76: {  	_ =	swait.ge [sflag:s12], $0x80  }
.Ltmp0:
0x77: {  	[sflag:s12] =	ssyncset.done $0x0;
	(pc) =	sbr.rel @p0 .LBB2_2-.Ltmp0, $4  }
0x78: {  	[sflag:s12] =	ssyncadd.s32 $0xFFFFFF80  }
0x79: {  	v1 =	vld [tilespmem:$0x14170]  }
0x7a: {  	v3 =	vld [tilespmem:$0x14110]  }
0x7b: {  	v2 =	vld [tilespmem:$0x14100]  }
0x7c: {  	v4 =	vld [tilespmem:$0x14150]  }
0x7d: {  	v5 =	vld [tilespmem:$0x14140]  }
0x7e: {  	v7 =	vld [tilespmem:$0x14120];
	v1 =	vadd.s32 v0, v1  }
0x7f: {  	v6 =	vld [tilespmem:$0x14160];
	v3 =	vadd.s32 v0, v3;
	[tilespmem:$0x14170] =	vst v1  }
0x80: {  	v2 =	vadd.s32 v0, v2;
	[tilespmem:$0x14110] =	vst v3;
	v3 =	vld [tilespmem:$0x14130]  }
0x81: {  	[tilespmem:$0x14100] =	vst v2;
	v2 =	vadd.s32 v0, v4  }
0x82: {  	v62 =	vadd.s32 v0, v5;
	[tilespmem:$0x14150] =	vst v2  }
0x83: {  	v63 =	vadd.s32 v0, v7;
	[tilespmem:$0x14140] =	vst v62  }
0x84: {  	v2 =	vadd.s32 v0, v6;
	[tilespmem:$0x14120] =	vst v63  }
0x85: {  	[tilespmem:$0x14160] =	vst v2;
	v2 =	vadd.s32 v0, v3  }
0x86: {  	[tilespmem:$0x14130] =	vst v2  }
0x87: {  	_ =	swait.ge [sflag:s19], $0x4000  }
0x88: {  	[sflag:s19] =	ssyncset.done $0x0  }
0x89: {  	[sflag:s19] =	ssyncadd.s32 $0xFFFFC000  }
0x8a: {  	[spmem:s2] =	stream.indirect.scatter.add.f32 [tilespmem:s16], [sflag:$0x3], $0x80, s14, s15, $0xb8;
	[tilespmem:$0x1C200] =	vst v63  }
0x8b: {  	_ = 	snop  }
0x8c: {  	[tilespmem:s20], [sflag:$0x2] =	stream.indirect.gather [hbm4b:s4+s15], $0x80, s17, s15, $0xb8;
	[tilespmem:$0x1C200] =	vst v63  }
0x8d: {  	_ =	swait.ge [sflag:s21], $0x4000  }
0x8e: {  	[sflag:s21] =	ssyncset.done $0x0  }
0x8f: {  	[sflag:s21] =	ssyncadd.s32 $0xFFFFC000  }
0x90: {  	[spmem:s2] =	stream.indirect.scatter.add.f32 [tilespmem:s20], [sflag:$0x4], $0x80, s18, s15, $0xb8;
	[tilespmem:$0x1C200] =	vst v63  }
0x91: {  	_ =	swait.ge [sflag:s22], $0x4000  }
0x92: {  	[sflag:s22] =	ssyncset.done $0x0  }
0x93: {  	[sflag:s22] =	ssyncadd.s32 $0xFFFFC000  }
0x94: {  	_ =	swait.ge [sflag:s23], $0x4000  }
0x95: {  	s24 =	sadd.s32 $0x1, s24;
	[sflag:s23] =	ssyncset.done $0x0  }
0x96: {  	p0 =	sne.s32 s24, s8;
	[sflag:s23] =	ssyncadd.s32 $0xFFFFC000  }
.Ltmp1:
0x97: {  	[bflag:$0x0] =	sbarrier.arrive $0xFFFF;
	(pc) =	sbr.rel @p0 .LBB2_1-.Ltmp1, $4  }
0x98: {  	[hbm:s7], [sflag:s6] =	dma.local [spmem:s11], $0x2800  }
0x99: {  	_ =	swait.ge [sflag:s12], $0x2800  }
0x9a: {  	[sflag:s12] =	ssyncset.done $0x0  }
0x9b: {  	[sflag:s12] =	ssyncadd.s32 $0xFFFFD800  }
0x9c: {  	_ =	sfence.sel $0x180000  }
0x9d: {  	[bflag:$0x0] =	sbarrier.arrive $0xFFFF  }
0x9e: {  	p0 =	sne.s32 s0, $0x0;
	_ =	strace $0x9000004A  }
0x9f: {  	s0 =	sadd.s32 @!p0 $0x100000, s1;
	[bflag:$0x2] =	sbarrier.arrive $0xFFFF  }
0xa0: {  	[sflag:s0] =	ssyncadd.tile.s32 @!p0 $0x1;
	_ =	shalt  }
.Lfunc_end2:
_tile_overlayer_lowered:
.L_overlay_start_2:
0xa1: {  	(tag) =	ssettag $0x2  }
0xa2: {  	s0 =	rddreg [dreg:$0x0];
	s2 =	stileid.u32  }
0xa3: {  	s1 =	rddreg [dreg:$0x1];
	p0 =	sne.s32 s2, $0x0  }
0xa4: {  	s3 =	rddreg [dreg:$0x2];
	[bflag:$0x3] =	sbarrier.arrive $0xFFFF;
	s2 =	simm.s32 @!p0 $0x1C05  }
0xa5: {  	[timem:s3], [sflag:s2] =	dma.local @!p0 [hbm:s0], s1  }
0xa6: {  	s0 =	simm.s32 @!p0 $0x5  }
0xa7: {  	_ =	swait.ge @!p0 [sflag:s0], s1  }
0xa8: {  	s1 =	ssub.s32 @!p0 $0x0, s1;
	[sflag:s0] =	ssyncset.done @!p0 $0x0  }
0xa9: {  	[sflag:s0] =	ssyncadd.s32 @!p0 s1  }
0xaa: {  	[bflag:$0x3] =	sbarrier.arrive $0xFFFF  }
0xab: {  	_ =	shalt  }

// kernel: kernel.9.cloned.1.call-start
scs
__scs_entry_jumppad:
0x0: {  	(pc) =	sbr.rel $0x88, $3  }
0x1: {  	(tag) =	ssettag $0x0;
	lr =	simm.s32 $0x1  }
0x2: {  	[smem:$0x3F8B] =	sst lr;
	_ =	strace $0xD0000000  }
0x3: {  	_ = 	snop  }
0x4: {  	_ = 	snop  }
0x5: {  	_ = 	snop  }
0x6: {  	_ = 	snop  }
0x7: {  	_ = 	snop  }
__scs_overlays_trampoline_lowered:
0x8: {  	[smem:$0x3F9A] =	sst s0  }
0x9: {  	[smem:$0x3F9B] =	sst s1  }
0xa: {  	[smem:$0x3F9C] =	sst s2  }
0xb: {  	[smem:$0x3F9D] =	sst s3  }
0xc: {  	[smem:$0x3F9E] =	sst s4  }
0xd: {  	[smem:$0x3F9F] =	sst s5  }
0xe: {  	[smem:$0x3FA0] =	sst s6  }
0xf: {  	[smem:$0x3FA1] =	sst s7  }
0x10: {  	[smem:$0x3FA2] =	sst s8  }
0x11: {  	[smem:$0x3FA3] =	sst s9;
	s0 =	simm.s32 @!p0 $0x0  }
0x12: {  	s1 =	sld [smem:$0x3F89];
	s0 =	simm.s32 @p0 $0x1  }
0x13: {  	[smem:$0x3FA4] =	sst s0;
	s0 =	simm.s32 @!p1 $0x0  }
0x14: {  	s2 =	sld [smem:$0x3F88];
	s0 =	simm.s32 @p1 $0x1  }
0x15: {  	[smem:$0x3FA5] =	sst s0;
	s0 =	simm.s32 @!p2 $0x0  }
0x16: {  	s3 =	sld [smem:$0x3FDB];
	s0 =	simm.s32 @p2 $0x1  }
0x17: {  	s4 =	simm.s32 $0x1BF5;
	[smem:$0x3FA7] =	sst s0  }
0x18: {  	s0 =	sld [smem:$0x3F8A];
	_ =	swait.ge [sflag:s4], $0x0  }
0x19: {  	s7 =	sld [smem:$0x3F8B]  }
0x1a: {  	s8 =	sadd.s32 $0xFFFFE003, lr  }
0x1b: {  	s9 =	sadd.s32 $0xFFFFFEF7, lr;
	s5 =	simm.s32 $0xFFFFFFFF;
	p2 =	slt.u32 s8, $0xFFFFF086  }
0x1c: {  	p1 =	slt.u32 s9, $0xF7A;
	s5 =	simm.s32 @!p2 $0x0  }
0x1d: {  	s5 =	simm.s32 @p1 $0x1;
	p0 =	seq.s32 s7, s2  }
0x1e: {  	s7 =	smul.u32 @!p0 $0xF7A, s2;
	p2 =	seq.s32 @!p0 s5, $0x0  }
0x1f: {  	s9 =	smul.u32 $0xF7A, s1;
	s8 =	simm.s32 @!p0 $0x1BF5;
	p2 =	por !p2, p0  }
0x20: {  	[sflag:s8] =	ssyncset.s32 @!p0 $0xFFFFF086;
	s6 =	sadd.s32 @!p0 s3, s7;
	s7 =	simm.s32 @!p0 $0x108  }
0x21: {  	s3 =	sadd.s32 s3, s9;
	s6 =	sadd.s32 @!p0 $0x88, s6;
	s7 =	simm.s32 @p2 $0x1082  }
0x22: {  	[simem:s7], [sflag:s8] =	dma.local @!p0 [hbm:s6], $0xF7A  }
0x23: {  	s9 =	sor.u32 $0xD0000000, s2;
	s6 =	simm.s32 $0x108;
	_ =	swait.ge @!p0 [sflag:s8], $0x0  }
0x24: {  	s3 =	sadd.s32 $0x88, s3;
	s6 =	simm.s32 @!p1 $0x1082;
	[sflag:s4] =	ssyncset.s32 $0xFFFFF086  }
0x25: {  	[simem:s6], [sflag:s4] =	dma.local [hbm:s3], $0xF7A  }
0x26: {  	[smem:$0x3F8B] =	sst s1;
	(tag) =	ssettag s2;
	_ =	strace s9  }
0x27: {  	s1 =	sld [smem:$0x3F9B]  }
0x28: {  	s2 =	sld [smem:$0x3F9C]  }
0x29: {  	s4 =	sld [smem:$0x3F9E]  }
0x2a: {  	p0 =	seq.s32 s5, $0x0;
	s5 =	sld [smem:$0x3F9F]  }
0x2b: {  	s6 =	sld [smem:$0x3FA0]  }
0x2c: {  	s7 =	sld [smem:$0x3FA1]  }
0x2d: {  	s3 =	simm.s32 $0x108;
	s8 =	sld [smem:$0x3FA2]  }
0x2e: {  	s3 =	simm.s32 @!p0 $0x1082;
	s9 =	sld [smem:$0x3FA3]  }
0x2f: {  	lr =	sadd.s32 s0, s3;
	s0 =	sld [smem:$0x3F9A]  }
0x30: {  	s3 =	sld [smem:$0x3F9D]  }
0x31: {  	[smem:$0x3FA6] =	sst s10  }
0x32: {  	s10 =	sld [smem:$0x3FA4];
	_ =	sdelay $0x3  }
0x33: {  	p0 =	seq.s32 s10, $0x1;
	s10 =	sld [smem:$0x3FA6];
	_ =	sdelay $0x3  }
0x34: {  	[smem:$0x3FA6] =	sst s10  }
0x35: {  	s10 =	sld [smem:$0x3FA5];
	_ =	sdelay $0x3  }
0x36: {  	p1 =	seq.s32 s10, $0x1;
	s10 =	sld [smem:$0x3FA6];
	_ =	sdelay $0x3  }
0x37: {  	[smem:$0x3FA6] =	sst s10  }
0x38: {  	s10 =	sld [smem:$0x3FA7]  }
0x39: {  	_ = 	snop;
	(pc) =	sbr.ind lr, $3  }
0x3a: {  	_ = 	snop  }
0x3b: {  	_ = 	snop  }
0x3c: {  	p2 =	seq.s32 s10, $0x1;
	s10 =	sld [smem:$0x3FA6]  }
0x3d: {  	_ =	shalt  }
0x3e: {  	_ =	shalt  }
0x3f: {  	_ =	shalt  }
0x40: {  	_ =	shalt  }
0x41: {  	_ =	shalt  }
0x42: {  	_ =	shalt  }
0x43: {  	_ =	shalt  }
0x44: {  	_ =	shalt  }
0x45: {  	_ =	shalt  }
0x46: {  	_ =	shalt  }
0x47: {  	_ =	shalt  }
0x48: {  	_ =	shalt  }
0x49: {  	_ =	shalt  }
0x4a: {  	_ =	shalt  }
0x4b: {  	_ =	shalt  }
0x4c: {  	_ =	shalt  }
0x4d: {  	_ =	shalt  }
0x4e: {  	_ =	shalt  }
0x4f: {  	_ =	shalt  }
0x50: {  	_ =	shalt  }
0x51: {  	_ =	shalt  }
0x52: {  	_ =	shalt  }
0x53: {  	_ =	shalt  }
0x54: {  	_ =	shalt  }
0x55: {  	_ =	shalt  }
0x56: {  	_ =	shalt  }
0x57: {  	_ =	shalt  }
0x58: {  	_ =	shalt  }
0x59: {  	_ =	shalt  }
0x5a: {  	_ =	shalt  }
0x5b: {  	_ =	shalt  }
0x5c: {  	_ =	shalt  }
0x5d: {  	_ =	shalt  }
0x5e: {  	_ =	shalt  }
0x5f: {  	_ =	shalt  }
0x60: {  	_ =	shalt  }
0x61: {  	_ =	shalt  }
0x62: {  	_ =	shalt  }
0x63: {  	_ =	shalt  }
0x64: {  	_ =	shalt  }
0x65: {  	_ =	shalt  }
0x66: {  	_ =	shalt  }
0x67: {  	_ =	shalt  }
0x68: {  	_ =	shalt  }
0x69: {  	_ =	shalt  }
0x6a: {  	_ =	shalt  }
0x6b: {  	_ =	shalt  }
0x6c: {  	_ =	shalt  }
0x6d: {  	_ =	shalt  }
0x6e: {  	_ =	shalt  }
0x6f: {  	_ =	shalt  }
0x70: {  	_ =	shalt  }
0x71: {  	_ =	shalt  }
0x72: {  	_ =	shalt  }
0x73: {  	_ =	shalt  }
0x74: {  	_ =	shalt  }
0x75: {  	_ =	shalt  }
0x76: {  	_ =	shalt  }
0x77: {  	_ =	shalt  }
0x78: {  	_ =	shalt  }
0x79: {  	_ =	shalt  }
0x7a: {  	_ =	shalt  }
0x7b: {  	_ =	shalt  }
0x7c: {  	_ =	shalt  }
0x7d: {  	_ =	shalt  }
0x7e: {  	_ =	shalt  }
0x7f: {  	_ =	shalt  }
0x80: {  	_ =	shalt  }
0x81: {  	_ =	shalt  }
0x82: {  	_ =	shalt  }
0x83: {  	_ =	shalt  }
0x84: {  	_ =	shalt  }
0x85: {  	_ =	shalt  }
0x86: {  	_ =	shalt  }
0x87: {  	_ =	shalt  }
.Lfunc_end0:
.L_simem_size_0:
called_computation_lowered:
.L_overlay_start_0:
0x88: {  	s2 =	sld [smem:$0x3FD9]  }
0x89: {  	s3 =	sld [smem:$0x3FFE];
	_ =	sdelay $0x1  }
0x8a: {  	s1 =	srdreg.scid  }
0x8b: {  	s0 =	sand.u32 $0x1, s1  }
0x8c: {  	s16 =	sshll.u32 s0, $0xA;
	s2 =	sadd.s32 s3, s2  }
0x8d: {  	s2 =	sadd.s32 s2, s16  }
0x8e: {  	[smem:$0x3FB2] =	sst s2  }
0x8f: {  	_ = 	snop  }
0x90: {  	(tm) =	ssettm $0x1  }
0x91: {  	s17 =	sld [smem:$0x3FFB];
	_ =	sdelay $0x3  }
0x92: {  	_ =	strace s17  }
0x93: {  	s2 =	sld [smem:$0x3FFC];
	_ =	sdelay $0x3  }
0x94: {  	_ =	strace s2  }
0x95: {  	s2 =	sld [smem:$0x3FFD];
	_ =	sdelay $0x3  }
0x96: {  	_ =	strace s2  }
0x97: {  	_ =	strace $0x8FFFFFFF  }
0x98: {  	s18 =	sld [smem:$0x3FDB];
	_ =	sdelay $0x1  }
0x99: {  	s19 =	simm.s32 $_scs_section_size  }
0x9a: {  	s4 =	simm.s32 $_size__tile_overlayer_lowered;
	s5 =	simm.s32 $_tile_overlayer_lowered  }
0x9b: {  	s22 =	simm.s32 $0x1BFF;
	s21 =	sshll.u32 s5, $0x1;
	s2 =	sadd.s32 s19, s18  }
0x9c: {  	s6 =	simm.s32 $0x0;
	s20 =	sshll.u32 s4, $0x1;
	s4 =	sadd.s32 s21, s2  }
0x9d: {  	[timem:s6], [sflag:s22] =	dma.local [hbm:s4], s20  }
0x9e: {  	_ =	swait.ge [sflag:s22], s20  }
0x9f: {  	s3 =	ssub.s32 $0x0, s20;
	[sflag:s22] =	ssyncset.done $0x0  }
0xa0: {  	[sflag:s22] =	ssyncadd.s32 s3;
	_ =	sdelay $0x1  }
0xa1: {  	s23 =	simm.s32 $0x1B8B  }
0xa2: {  	_ =	swait.ge [sflag:s23], $0x1  }
0xa3: {  	[sflag:s23] =	ssyncset.done $0x0  }
0xa4: {  	s25 =	simm.s32 $0x1B8E;
	s24 =	sld [smem:$0x3FFE];
	[sflag:s23] =	ssyncadd.s32 $0xFFFFFFFF  }
0xa5: {  	s26 =	simm.s32 $execute0_lowered;
	[smem:$0x3FD2] =	sst s25  }
0xa6: {  	s4 =	sshll.u32 s26, $0x1;
	_ =	strace $0x80000046;
	[dreg:$0x1] =	wrdreg $0xFFFFFFFF  }
0xa7: {  	s28 =	simm.s32 $_size_execute0_lowered;
	s2 =	sadd.s32 s2, s4;
	[dreg:$0x0] =	wrdreg $0x0  }
0xa8: {  	s4 =	sshll.u32 s28, $0x1;
	[dreg:$0x2] =	wrdreg s2  }
0xa9: {  	[dreg:$0x3] =	wrdreg s4  }
0xaa: {  	[dreg:$0x4] =	wrdreg $0xC0  }
0xab: {  	_ =	task [dreg:s6], $0x5FFFF  }
0xac: {  	[dreg:$0x1] =	wrdreg $0xFFFFFFFF  }
0xad: {  	[dreg:$0x0] =	wrdreg $0x60  }
0xae: {  	[dreg:$0x2] =	wrdreg s24  }
0xaf: {  	[dreg:$0x3] =	wrdreg $0x0  }
0xb0: {  	[dreg:$0x4] =	wrdreg $0x9  }
0xb1: {  	_ =	task.clear_ibuf [dreg:s6], $0x5FFFF;
	_ =	strace $0x90000046  }
0xb2: {  	s29 =	simm.s32 $0x9;
	_ =	strace $0x80000048  }
0xb3: {  	_ =	swait.ge [sflag:s29], $0x1  }
0xb4: {  	[sflag:s29] =	ssyncadd.s32 $0xFFFFFFFF  }
0xb5: {  	_ =	strace $0x90000048  }
0xb6: {  	_ =	sfence  }
0xb7: {  	s30 =	sld [smem:$0x0];
	_ =	sdelay $0x2  }
0xb8: {  	s31 =	sshll.u32 s1, $0xD;
	s1 =	sshrl.u32 s1, $0x2  }
0xb9: {  	s3 =	sand.u32 $0x4000, s31;
	s1 =	sadd.s32 s1, s30  }
0xba: {  	s0 =	sor.u32 s3, s0;
	s1 =	sshll.u32 s1, $0x11  }
0xbb: {  	s0 =	sor.u32 s1, s0  }
0xbc: {  	s0 =	sadd.s32 $0x8F2B, s0  }
0xbd: {  	[sflag:s0] =	ssyncadd.remote.s32 $0x1  }
0xbe: {  	_ =	sfence.sel $0xFFFF  }
0xbf: {  	[dreg:$0x0] =	wrdreg $0xFFFFFFFF;
	(pc) =	sbr.abs _section_cstart, $3  }
0xc0: {  	[dreg:$0x1] =	wrdreg $0xFFFFFFFF  }
0xc1: {  	_ =	task.clear_ibuf [dreg:s6], $0x2FFFF;
	_ =	strace $0x9FFFFFFF  }
0xc2: {  	(tm) =	ssettm $0x7FFFFFFF  }
0xc3: {  	_ =	shalt  }
tec
execute0_lowered:
.L_overlay_start_1:
0x0: {  	(tag) =	ssettag $0x1  }
0x1: {  	s6 =	rddreg [dreg:$0x0]  }
0x2: {  	s0 =	stileid.u32;
	s1 =	srdreg.scid  }
0x3: {  	s2 =	rddreg [dreg:$0x1];
	s3 =	simm.s32 $0x0;
	s13 =	simm.s32 $0x14000  }
0x4: {  	s14 =	simm.s32 $0x14080;
	s15 =	simm.s32 $0x80;
	s16 =	simm.s32 $0x14200  }
0x5: {  	s17 =	simm.s32 $0x14100;
	s18 =	simm.s32 $0x14180;
	s19 =	simm.s32 $0x1  }
0x6: {  	s20 =	simm.s32 $0x18200;
	s21 =	simm.s32 $0x2;
	s23 =	simm.s32 $0x4  }
0x7: {  	s5 =	smul.u32 $0x9E0, s0;
	s7 =	sand.u32 $0x1, s1;
	s1 =	rddreg [dreg:$0x2]  }
0x8: {  	s24 =	simm.s32 $0x0;
	[smem:$0x7FF] =	sst s3;
	s9 =	smul.u32 $0x14000, s0  }
0x9: {  	s4 =	sadd.s32 $0x3F800, s6;
	s11 =	smul.u32 $0x50000, s0;
	s31 =	sshll.u32 s0, $0x6  }
0xa: {  	s8 =	smul.u32 $0x140000, s7;
	_ =	strace $0x80000047;
	s28 =	ssub.s32 $0x2, s7  }
0xb: {  	s22 =	smul.u32 $0x2800, s7;
	s10 =	sadd.s32 s5, s6;
	s5 =	sadd.s32 $0x8F800, s6  }
0xc: {  	s29 =	sshrl.u32 s28, $0x1;
	s30 =	sshrl.u32 s11, $0x2;
	s26 =	sadd.s32 s9, s8  }
0xd: {  	s9 =	ssub.s32 s28, s29;
	s12 =	sadd.s32 s30, s2;
	s8 =	sshrl.u32 s26, $0x3  }
0xe: {  	v0 =	vmov s22;
	s22 =	simm.s32 $0x3;
	s11 =	sshrl.u32 s12, $0x3;
	s8 =	sadd.s32 s8, s6  }
0xf: {  	s12 =	simm.s32 $0x5;
	s6 =	sor.u32 $0x1C05, s31;
	s7 =	sadd.s32 $0x92000, s8  }
0x10: {  	s8 =	smax.u32 s9, $0x1;
	s9 =	sadd.s32 $0x3C00, s10;
	s10 =	sadd.s32 $0xDA00, s10  }
.LBB2_1:
0x11: {  	[spmem:s11], [sflag:s6] =	dma.local [hbm:s5], $0x2800  }
0x12: {  	_ =	swait.ge [sflag:s12], $0x2800  }
0x13: {  	[sflag:s12] =	ssyncset.done $0x0  }
0x14: {  	p0 =	por $0x1, $0x1;
	[sflag:s12] =	ssyncadd.s32 $0xFFFFD800  }
0x15: {  	s25 =	simm.s32 @!p0 $0x3;
	[bflag:$0x0] =	sbarrier.arrive $0xFFFF  }
0x16: {  	_ =	swait.ge @!p0 [sflag:s25], $0x4000  }
0x17: {  	[sflag:s25] =	ssyncset.done @!p0 $0x0  }
0x18: {  	s30 =	sadd.s32 $0x0, s9;
	[sflag:s25] =	ssyncadd.s32 @!p0 $0xFFFFC000  }
0x19: {  	[tilespmem:s13], [sflag:$0x5] =	stream.linear.gather [hbm4b:s30+s3], $0x80, $0x38;
	[tilespmem:$0x1C200] =	vst v63  }
0x1a: {  	_ =	swait.ge [sflag:s12], $0x80  }
0x1b: {  	[sflag:s12] =	ssyncset.done $0x0  }
0x1c: {  	s26 =	sadd.s32 $0x0, s10;
	[sflag:s12] =	ssyncadd.s32 $0xFFFFFF80  }
0x1d: {  	[tilespmem:s14], [sflag:$0x5] =	stream.linear.gather [hbm4b:s26+s3], $0x80, $0x38;
	[tilespmem:$0x1C200] =	vst v63  }
0x1e: {  	_ =	swait.ge [sflag:s12], $0x80  }
0x1f: {  	[sflag:s12] =	ssyncset.done $0x0  }
0x20: {  	[sflag:s12] =	ssyncadd.s32 $0xFFFFFF80  }
0x21: {  	v1 =	vld [tilespmem:$0x14050]  }
0x22: {  	v2 =	vld [tilespmem:$0x14060]  }
0x23: {  	v3 =	vld [tilespmem:$0x14070]  }
0x24: {  	v4 =	vld [tilespmem:$0x14040]  }
0x25: {  	v5 =	vld [tilespmem:$0x14020]  }
0x26: {  	v6 =	vld [tilespmem:$0x14010];
	v1 =	vadd.s32 v0, v1  }
0x27: {  	v7 =	vld [tilespmem:$0x14030];
	[tilespmem:$0x14050] =	vst v1;
	v1 =	vadd.s32 v0, v2  }
0x28: {  	v2 =	vld [tilespmem:$0x14000];
	[tilespmem:$0x14060] =	vst v1;
	v1 =	vadd.s32 v0, v3  }
0x29: {  	v3 =	vadd.s32 v0, v4;
	[tilespmem:$0x14070] =	vst v1  }
0x2a: {  	v1 =	vadd.s32 v0, v5;
	[tilespmem:$0x14040] =	vst v3  }
0x2b: {  	v3 =	vadd.s32 v0, v6;
	[tilespmem:$0x14020] =	vst v1  }
0x2c: {  	[tilespmem:$0x14010] =	vst v3;
	v1 =	vadd.s32 v0, v7  }
0x2d: {  	[tilespmem:$0x14030] =	vst v1;
	v2 =	vadd.s32 v0, v2  }
0x2e: {  	s28 =	simm.s32 @!p0 $0x4;
	[tilespmem:$0x14000] =	vst v2  }
0x2f: {  	[tilespmem:s16], [sflag:$0x1] =	stream.indirect.gather [hbm4b:s4+s15], $0x80, s13, s15, $0xb8;
	[tilespmem:$0x1C200] =	vst v63  }
0x30: {  	_ =	swait.ge @!p0 [sflag:s28], $0x4000  }
0x31: {  	[sflag:s28] =	ssyncset.done @!p0 $0x0  }
0x32: {  	s25 =	sadd.s32 $0x10, s30;
	[sflag:s28] =	ssyncadd.s32 @!p0 $0xFFFFC000  }
0x33: {  	[tilespmem:s17], [sflag:$0x5] =	stream.linear.gather [hbm4b:s25+s3], $0x80, $0x38;
	[tilespmem:$0x1C200] =	vst v63  }
0x34: {  	_ =	swait.ge [sflag:s12], $0x80  }
0x35: {  	[sflag:s12] =	ssyncset.done $0x0  }
0x36: {  	s31 =	sadd.s32 $0x10, s26;
	[sflag:s12] =	ssyncadd.s32 $0xFFFFFF80  }
0x37: {  	[tilespmem:s18], [sflag:$0x5] =	stream.linear.gather [hbm4b:s31+s3], $0x80, $0x38;
	[tilespmem:$0x1C200] =	vst v63  }
0x38: {  	_ =	swait.ge [sflag:s12], $0x80  }
0x39: {  	[sflag:s12] =	ssyncset.done $0x0  }
0x3a: {  	[sflag:s12] =	ssyncadd.s32 $0xFFFFFF80  }
0x3b: {  	v1 =	vld [tilespmem:$0x14170]  }
0x3c: {  	v3 =	vld [tilespmem:$0x14110]  }
0x3d: {  	s25 =	simm.s32 $0x20;
	v2 =	vld [tilespmem:$0x14100]  }
.LBB2_2:
0x3e: {  	v4 =	vld [tilespmem:$0x14150];
	s26 =	smov.u32 s25;
	s25 =	sadd.s32 $0x20, s25  }
0x3f: {  	p0 =	sne.s32 s25, $0x9E0;
	v5 =	vld [tilespmem:$0x14140]  }
0x40: {  	v6 =	vld [tilespmem:$0x14160];
	v1 =	vadd.s32 v0, v1  }
0x41: {  	v3 =	vadd.s32 v0, v3;
	v7 =	vld [tilespmem:$0x14120]  }
0x42: {  	v2 =	vadd.s32 v0, v2;
	[tilespmem:$0x14110] =	vst v3;
	v3 =	vld [tilespmem:$0x14130]  }
0x43: {  	[tilespmem:$0x14100] =	vst v2;
	v2 =	vadd.s32 v0, v4  }
0x44: {  	v4 =	vadd.s32 v0, v5;
	[tilespmem:$0x14150] =	vst v2  }
0x45: {  	[tilespmem:$0x14140] =	vst v4;
	v2 =	vadd.s32 v0, v6  }
0x46: {  	v4 =	vadd.s32 v0, v7;
	[tilespmem:$0x14160] =	vst v2  }
0x47: {  	[tilespmem:$0x14120] =	vst v4;
	v2 =	vadd.s32 v0, v3  }
0x48: {  	[tilespmem:$0x14130] =	vst v2  }
0x49: {  	[tilespmem:$0x14170] =	vst v1  }
0x4a: {  	_ =	swait.ge [sflag:s19], $0x4000  }
0x4b: {  	[sflag:s19] =	ssyncset.done $0x0  }
0x4c: {  	[sflag:s19] =	ssyncadd.s32 $0xFFFFC000  }
0x4d: {  	[spmem:s2] =	stream.indirect.scatter.add.f32 [tilespmem:s16], [sflag:$0x3], $0x80, s14, s15, $0xb8;
	[tilespmem:$0x1C200] =	vst v63  }
0x4e: {  	_ = 	snop  }
0x4f: {  	[tilespmem:s20], [sflag:$0x2] =	stream.indirect.gather [hbm4b:s4+s15], $0x80, s17, s15, $0xb8;
	[tilespmem:$0x1C200] =	vst v63  }
0x50: {  	_ =	swait.ge [sflag:s21], $0x4000  }
0x51: {  	p1 =	seq.s32 s26, $0x0;
	[sflag:s21] =	ssyncset.done $0x0  }
0x52: {  	s28 =	simm.s32 @!p1 $0x3;
	[sflag:s21] =	ssyncadd.s32 $0xFFFFC000  }
0x53: {  	[spmem:s2] =	stream.indirect.scatter.add.f32 [tilespmem:s20], [sflag:$0x4], $0x80, s18, s15, $0xb8;
	[tilespmem:$0x1C200] =	vst v63  }
0x54: {  	_ =	swait.ge @!p1 [sflag:s28], $0x4000  }
0x55: {  	[sflag:s28] =	ssyncset.done @!p1 $0x0  }
0x56: {  	[sflag:s28] =	ssyncadd.s32 @!p1 $0xFFFFC000;
	s28 =	sadd.s32 s26, s9  }
0x57: {  	[tilespmem:s13], [sflag:$0x5] =	stream.linear.gather [hbm4b:s28+s3], $0x80, $0x38;
	[tilespmem:$0x1C200] =	vst v63  }
0x58: {  	_ =	swait.ge [sflag:s12], $0x80  }
0x59: {  	[sflag:s12] =	ssyncset.done $0x0  }
0x5a: {  	s26 =	sadd.s32 s26, s10;
	[sflag:s12] =	ssyncadd.s32 $0xFFFFFF80  }
0x5b: {  	[tilespmem:s14], [sflag:$0x5] =	stream.linear.gather [hbm4b:s26+s3], $0x80, $0x38;
	[tilespmem:$0x1C200] =	vst v63  }
0x5c: {  	_ =	swait.ge [sflag:s12], $0x80  }
0x5d: {  	[sflag:s12] =	ssyncset.done $0x0  }
0x5e: {  	[sflag:s12] =	ssyncadd.s32 $0xFFFFFF80  }
0x5f: {  	v1 =	vld [tilespmem:$0x14050]  }
0x60: {  	v2 =	vld [tilespmem:$0x14060]  }
0x61: {  	v3 =	vld [tilespmem:$0x14070]  }
0x62: {  	v4 =	vld [tilespmem:$0x14040]  }
0x63: {  	v5 =	vld [tilespmem:$0x14020]  }
0x64: {  	v6 =	vld [tilespmem:$0x14010];
	v1 =	vadd.s32 v0, v1  }
0x65: {  	v7 =	vld [tilespmem:$0x14030];
	[tilespmem:$0x14050] =	vst v1;
	v1 =	vadd.s32 v0, v2  }
0x66: {  	v2 =	vld [tilespmem:$0x14000];
	[tilespmem:$0x14060] =	vst v1;
	v1 =	vadd.s32 v0, v3  }
0x67: {  	v3 =	vadd.s32 v0, v4;
	[tilespmem:$0x14070] =	vst v1  }
0x68: {  	v1 =	vadd.s32 v0, v5;
	[tilespmem:$0x14040] =	vst v3  }
0x69: {  	v3 =	vadd.s32 v0, v6;
	[tilespmem:$0x14020] =	vst v1  }
0x6a: {  	[tilespmem:$0x14010] =	vst v3;
	v1 =	vadd.s32 v0, v7  }
0x6b: {  	v2 =	vadd.s32 v0, v2;
	[tilespmem:$0x14030] =	vst v1  }
0x6c: {  	s29 =	simm.s32 @!p1 $0x4;
	[tilespmem:$0x14000] =	vst v2  }
0x6d: {  	[tilespmem:s16], [sflag:$0x1] =	stream.indirect.gather [hbm4b:s4+s15], $0x80, s13, s15, $0xb8;
	[tilespmem:$0x1C200] =	vst v63  }
0x6e: {  	_ =	swait.ge @!p1 [sflag:s29], $0x4000  }
0x6f: {  	[sflag:s29] =	ssyncset.done @!p1 $0x0  }
0x70: {  	s28 =	sadd.s32 $0x10, s28;
	[sflag:s29] =	ssyncadd.s32 @!p1 $0xFFFFC000  }
0x71: {  	[tilespmem:s17], [sflag:$0x5] =	stream.linear.gather [hbm4b:s28+s3], $0x80, $0x38;
	[tilespmem:$0x1C200] =	vst v63  }
0x72: {  	_ =	swait.ge [sflag:s12], $0x80  }
0x73: {  	[sflag:s12] =	ssyncset.done $0x0  }
0x74: {  	s26 =	sadd.s32 $0x10, s26;
	[sflag:s12] =	ssyncadd.s32 $0xFFFFFF80  }
0x75: {  	[tilespmem:s18], [sflag:$0x5] =	stream.linear.gather [hbm4b:s26+s3], $0x80, $0x38;
	[tilespmem:$0x1C200] =	vst v63  }
0x76: {  	_ =	swait.ge [sflag:s12], $0x80  }
.Ltmp0:
0x77: {  	[sflag:s12] =	ssyncset.done $0x0;
	(pc) =	sbr.rel @p0 .LBB2_2-.Ltmp0, $4  }
0x78: {  	[sflag:s12] =	ssyncadd.s32 $0xFFFFFF80  }
0x79: {  	v1 =	vld [tilespmem:$0x14170]  }
0x7a: {  	v3 =	vld [tilespmem:$0x14110]  }
0x7b: {  	v2 =	vld [tilespmem:$0x14100]  }
0x7c: {  	v4 =	vld [tilespmem:$0x14150]  }
0x7d: {  	v5 =	vld [tilespmem:$0x14140]  }
0x7e: {  	v7 =	vld [tilespmem:$0x14120];
	v1 =	vadd.s32 v0, v1  }
0x7f: {  	v6 =	vld [tilespmem:$0x14160];
	v3 =	vadd.s32 v0, v3;
	[tilespmem:$0x14170] =	vst v1  }
0x80: {  	v2 =	vadd.s32 v0, v2;
	[tilespmem:$0x14110] =	vst v3;
	v3 =	vld [tilespmem:$0x14130]  }
0x81: {  	[tilespmem:$0x14100] =	vst v2;
	v2 =	vadd.s32 v0, v4  }
0x82: {  	v62 =	vadd.s32 v0, v5;
	[tilespmem:$0x14150] =	vst v2  }
0x83: {  	v63 =	vadd.s32 v0, v7;
	[tilespmem:$0x14140] =	vst v62  }
0x84: {  	v2 =	vadd.s32 v0, v6;
	[tilespmem:$0x14120] =	vst v63  }
0x85: {  	[tilespmem:$0x14160] =	vst v2;
	v2 =	vadd.s32 v0, v3  }
0x86: {  	[tilespmem:$0x14130] =	vst v2  }
0x87: {  	_ =	swait.ge [sflag:s19], $0x4000  }
0x88: {  	[sflag:s19] =	ssyncset.done $0x0  }
0x89: {  	[sflag:s19] =	ssyncadd.s32 $0xFFFFC000  }
0x8a: {  	[spmem:s2] =	stream.indirect.scatter.add.f32 [tilespmem:s16], [sflag:$0x3], $0x80, s14, s15, $0xb8;
	[tilespmem:$0x1C200] =	vst v63  }
0x8b: {  	_ = 	snop  }
0x8c: {  	[tilespmem:s20], [sflag:$0x2] =	stream.indirect.gather [hbm4b:s4+s15], $0x80, s17, s15, $0xb8;
	[tilespmem:$0x1C200] =	vst v63  }
0x8d: {  	_ =	swait.ge [sflag:s21], $0x4000  }
0x8e: {  	[sflag:s21] =	ssyncset.done $0x0  }
0x8f: {  	[sflag:s21] =	ssyncadd.s32 $0xFFFFC000  }
0x90: {  	[spmem:s2] =	stream.indirect.scatter.add.f32 [tilespmem:s20], [sflag:$0x4], $0x80, s18, s15, $0xb8;
	[tilespmem:$0x1C200] =	vst v63  }
0x91: {  	_ =	swait.ge [sflag:s22], $0x4000  }
0x92: {  	[sflag:s22] =	ssyncset.done $0x0  }
0x93: {  	[sflag:s22] =	ssyncadd.s32 $0xFFFFC000  }
0x94: {  	_ =	swait.ge [sflag:s23], $0x4000  }
0x95: {  	s24 =	sadd.s32 $0x1, s24;
	[sflag:s23] =	ssyncset.done $0x0  }
0x96: {  	p0 =	sne.s32 s24, s8;
	[sflag:s23] =	ssyncadd.s32 $0xFFFFC000  }
.Ltmp1:
0x97: {  	[bflag:$0x0] =	sbarrier.arrive $0xFFFF;
	(pc) =	sbr.rel @p0 .LBB2_1-.Ltmp1, $4  }
0x98: {  	[hbm:s7], [sflag:s6] =	dma.local [spmem:s11], $0x2800  }
0x99: {  	_ =	swait.ge [sflag:s12], $0x2800  }
0x9a: {  	[sflag:s12] =	ssyncset.done $0x0  }
0x9b: {  	[sflag:s12] =	ssyncadd.s32 $0xFFFFD800  }
0x9c: {  	_ =	sfence.sel $0x180000  }
0x9d: {  	[bflag:$0x0] =	sbarrier.arrive $0xFFFF  }
0x9e: {  	p0 =	sne.s32 s0, $0x0;
	_ =	strace $0x90000047  }
0x9f: {  	s0 =	sadd.s32 @!p0 $0x100000, s1;
	[bflag:$0x2] =	sbarrier.arrive $0xFFFF  }
0xa0: {  	[sflag:s0] =	ssyncadd.tile.s32 @!p0 $0x1;
	_ =	shalt  }
.Lfunc_end2:
_tile_overlayer_lowered:
.L_overlay_start_2:
0xa1: {  	(tag) =	ssettag $0x2  }
0xa2: {  	s0 =	rddreg [dreg:$0x0];
	s2 =	stileid.u32  }
0xa3: {  	s1 =	rddreg [dreg:$0x1];
	p0 =	sne.s32 s2, $0x0  }
0xa4: {  	s3 =	rddreg [dreg:$0x2];
	[bflag:$0x3] =	sbarrier.arrive $0xFFFF;
	s2 =	simm.s32 @!p0 $0x1C05  }
0xa5: {  	[timem:s3], [sflag:s2] =	dma.local @!p0 [hbm:s0], s1  }
0xa6: {  	s0 =	simm.s32 @!p0 $0x5  }
0xa7: {  	_ =	swait.ge @!p0 [sflag:s0], s1  }
0xa8: {  	s1 =	ssub.s32 @!p0 $0x0, s1;
	[sflag:s0] =	ssyncset.done @!p0 $0x0  }
0xa9: {  	[sflag:s0] =	ssyncadd.s32 @!p0 s1  }
0xaa: {  	[bflag:$0x3] =	sbarrier.arrive $0xFFFF  }
0xab: {  	_ =	shalt  }

</sc_bundles>
